<compile_context>
chip_gen: v7x
topology: tpu7x:2x2x1
jax: 0.10.2.dev20260603
libtpu: 0.0.44.dev20260713+nightly
codegen_flags: <defaults>
</compile_context>

<pallas_src>
import functools

import jax
import jax.numpy as jnp
from jax import lax
from jax.experimental import pallas as pl
from jax.experimental.pallas import tpu as pltpu
from jax.experimental.pallas import tpu_sc as plsc

_NC, _NS = 2, 16
_NW = _NC * _NS
_C = 256


def _params(N, D, S):
    SPW = (-(-S // _NW) + 7) // 8 * 8
    SLICE = (SPW + 1 + 16 + 7) // 8 * 8
    PAD = (_NW - 1) * SPW + SLICE
    CB = _C + 8
    KMAX = -(-N // _C)
    KPAD = (KMAX + 1 + 16 + 7) // 8 * 8
    return SPW, SLICE, PAD, CB, KMAX, KPAD


def _build_seg_sum(N, D, S):
    SPW, SLICE, PAD, CB, KMAX, KPAD = _params(N, D, S)
    DV = D // 16

    mesh = plsc.VectorSubcoreMesh(
        core_axis_name="c", subcore_axis_name="s",
        num_cores=_NC, num_subcores=_NS)

    @functools.partial(
        pl.kernel,
        out_type=jax.ShapeDtypeStruct((_NW * SPW, D), jnp.float32),
        mesh=mesh,
        scratch_types=[
            pltpu.VMEM((SLICE,), jnp.int32),
            pltpu.VMEM((SLICE,), jnp.int32),
            pltpu.VMEM((KPAD,), jnp.int32),
            pltpu.VMEM((2 * CB, D), jnp.float32),
            pltpu.VMEM((SPW, D), jnp.float32),
            pltpu.SemaphoreType.DMA,
        ],
    )
    def seg_sum(x_hbm, starts_hbm, adv_hbm, pc_hbm, out_hbm,
                starts_v, adv_v, pc_v, rows_v, out_v, sem):
        wid = lax.axis_index("s") * _NC + lax.axis_index("c")
        s_lo = wid * SPW
        n_s = jnp.maximum(0, jnp.minimum(SPW, S - s_lo))
        pltpu.sync_copy(starts_hbm.at[pl.ds(s_lo, SLICE)], starts_v)
        pltpu.sync_copy(adv_hbm.at[pl.ds(s_lo, SLICE)], adv_v)
        pltpu.sync_copy(pc_hbm.at[pl.ds(wid * KPAD, KPAD)], pc_v)

        def sread(ref, idx):
            return ref[pl.ds(idx, 16)][0]

        row_lo = sread(starts_v, 0)
        row_hi = sread(starts_v, n_s)
        n_chunks = (row_hi - row_lo + _C - 1) // _C
        zero = jnp.zeros((16,), jnp.float32)

        sptr_init = jnp.clip(sread(adv_v, 0) - s_lo, 0, SLICE - 17)
        nxt_init = sread(starts_v, sptr_init + 1)

        def zero_body(i, _):
            for j in range(DV):
                out_v[i, pl.ds(16 * j, 16)] = zero
            return 0

        lax.fori_loop(0, SPW, zero_body, 0)

        def chunk_base(k):
            kc = jnp.clip(k, 0, jnp.maximum(n_chunks - 1, 0))
            base = row_lo + kc * _C
            return pl.multiple_of(jnp.clip((base // 8) * 8, 0, N - CB), 8)

        def buf_off(k):
            return pl.multiple_of((k % 2) * CB, 8)

        def start_copy(k):
            pltpu.async_copy(x_hbm.at[pl.ds(chunk_base(k), CB)],
                             rows_v.at[pl.ds(buf_off(k), CB)], sem)

        def wait_copy():
            pltpu.make_async_copy(x_hbm.at[pl.ds(0, CB)],
                                  rows_v.at[pl.ds(0, CB)], sem).wait()

        def process_chunk(k, carry):
            r0, sptr0, nxt0, acc0 = carry[0], carry[1], carry[2], carry[3:]
            base = row_lo + k * _C
            shift = chunk_base(k) - buf_off(k)
            chunk_end = jnp.minimum(base + _C, row_hi)
            pc = sread(pc_v, k)

            def piece_body(_, st):
                r, sptr, nxt = st[0], st[1], st[2]
                acc = st[3:]
                limit = jnp.minimum(nxt, chunk_end)

                def row_body(i, a):
                    return tuple(
                        a[j] + rows_v[i - shift, pl.ds(16 * j, 16)]
                        for j in range(DV))

                acc = plsc.parallel_loop(
                    r, limit, carry=acc, unroll=4)(row_body)
                do_flush = jnp.logical_and(limit == nxt, sptr < n_s)

                @pl.when(do_flush)
                def _():
                    for j in range(DV):
                        out_v[sptr, pl.ds(16 * j, 16)] = acc[j]

                jump = jnp.clip(sread(adv_v, sptr + 1) - s_lo, 0, SLICE - 17)
                sptr = jnp.where(do_flush, jump, sptr)
                nxt = sread(starts_v, sptr + 1)
                acc = tuple(jnp.where(do_flush, zero, a) for a in acc)
                return (limit, sptr, nxt) + acc

            return lax.fori_loop(0, pc, piece_body,
                                 (r0, sptr0, nxt0) + acc0)

        start_copy(0)

        def chunk_loop(k, carry):
            wait_copy()
            start_copy(k + 1)
            return process_chunk(k, carry)

        carry0 = (row_lo, sptr_init, nxt_init) + (zero,) * DV
        lax.fori_loop(0, n_chunks, chunk_loop, carry0)
        wait_copy()

        pltpu.sync_copy(out_v, out_hbm.at[pl.ds(s_lo, SPW)])

    return seg_sum


def kernel(sentence_embeddings, sentence_spans):
    x = sentence_embeddings
    N, D = x.shape
    S = sentence_spans.shape[0]
    SPW, SLICE, PAD, CB, KMAX, KPAD = _params(N, D, S)

    starts = sentence_spans[:, 0].astype(jnp.int32)
    starts_ext = jnp.concatenate(
        [starts, jnp.full((PAD - S,), N, dtype=jnp.int32)])
    idx = jnp.arange(S, dtype=jnp.int32)
    last_of_run = jnp.concatenate(
        [starts[1:] != starts[:-1], jnp.ones((1,), bool)])
    last_occ = lax.cummin(jnp.where(last_of_run, idx, S),
                          axis=0, reverse=True)
    adv_ext = jnp.concatenate(
        [last_occ, jnp.full((PAD - S,), S, dtype=jnp.int32)])

    w = jnp.arange(_NW, dtype=jnp.int32)
    s_lo = w * SPW
    n_s = jnp.clip(S - s_lo, 0, SPW)
    row_lo = starts_ext[s_lo]
    row_hi = starts_ext[s_lo + n_s]
    n_chunks = -(-(row_hi - row_lo) // _C)
    s_idx = jnp.arange(S, dtype=jnp.int32)
    w_s = s_idx // SPW
    row_lo_s = jnp.repeat(row_lo, SPW)[:S]
    b_s = starts_ext[1:S + 1]
    k_s = (b_s - 1 - row_lo_s) // _C
    flat = jnp.where(b_s > row_lo_s, w_s * KPAD + k_s, _NW * KPAD)
    hist = jnp.zeros((_NW * KPAD + 1,), jnp.int32).at[flat].add(1)
    k = jnp.arange(KPAD, dtype=jnp.int32)
    active = (k[None, :] < n_chunks[:, None]).astype(jnp.int32)
    pc = (hist[:_NW * KPAD].reshape(_NW, KPAD) + active).reshape(-1)

    seg_sum = _build_seg_sum(N, D, S)
    out_pad = seg_sum(x, starts_ext, adv_ext, pc)
    return out_pad[:S]

# --- scband reference (transcript-rebuilt; emitter-appended) ---
"""Pipeline reference for scband-sum-aggregator-19292993094232 (READ-ONLY COPY).

The authoritative reference and input builder live on the scoring server;
editing this copy changes nothing except your own understanding.
"""

import jax, jax.numpy as jnp
import numpy as np

N = 320000
D = 128
S = 10000


def setup_inputs(seed: int = 0) -> dict:
    key = jax.random.key(seed)
    k1, k2 = jax.random.split(key)
    x = jax.random.normal(k1, (N, D), dtype=jnp.float32)
    # Build S contiguous, non-overlapping spans covering [0, N): sorted cut points.
    cuts = jnp.sort(jax.random.randint(k2, (S - 1,), 1, N, dtype=jnp.int32))
    starts = jnp.concatenate([jnp.array([0], dtype=jnp.int32), cuts])
    ends = jnp.concatenate([cuts, jnp.array([N], dtype=jnp.int32)]) - 1  # inclusive end
    spans = jnp.stack([starts, ends], axis=1)  # [S, 2] int32
    return {"sentence_embeddings": x, "sentence_spans": spans}


def reference(sentence_embeddings, sentence_spans):
    # Faithful to: for each span [s, e], out_i = sum(sentence_embeddings[s:e+1], dim=0).
    # Vectorized via exclusive prefix sums: sum(x[s:e+1]) = csum[e+1] - csum[s].
    # Empty spans (e == s-1) correctly yield zeros, matching torch.sum over an empty slice.
    csum = jnp.concatenate(
        [jnp.zeros((1, sentence_embeddings.shape[1]), dtype=sentence_embeddings.dtype),
         jnp.cumsum(sentence_embeddings, axis=0)], axis=0)
    starts = sentence_spans[:, 0]
    ends = sentence_spans[:, 1]
    out = jnp.take(csum, ends + 1, axis=0) - jnp.take(csum, starts, axis=0)
    # torch module returns a Python list of per-span tensors; we return the stacked [S, D] array.
    return out

if __name__ == "__main__":
    import jax
    _d = setup_inputs()
    print(jax.jit(kernel)(*tuple(_d.values())))

</pallas_src>

<mosaic_0001>
#map = affine_map<(d0, d1) -> (0, 0)>
#map1 = affine_map<(d0, d1) -> (0)>
module attributes {stable_mosaic.version = 14 : i64} {
  func.func @seg_sum(%arg0: i32, %arg1: i32, %arg2: memref<320000x128xf32, #tpu.memory_space<hbm>>, %arg3: memref<10264xi32, #tpu.memory_space<hbm>>, %arg4: memref<10264xi32, #tpu.memory_space<hbm>>, %arg5: memref<40704xi32, #tpu.memory_space<hbm>>, %arg6: memref<10240x128xf32, #tpu.memory_space<hbm>>, %arg7: memref<344xi32, #tpu.memory_space<vmem>>, %arg8: memref<344xi32, #tpu.memory_space<vmem>>, %arg9: memref<1272xi32, #tpu.memory_space<vmem>>, %arg10: memref<528x128xf32, #tpu.memory_space<vmem>>, %arg11: memref<320x128xf32, #tpu.memory_space<vmem>>, %arg12: memref<!tpu.dma_semaphore, #tpu.memory_space<semaphore_mem>>) attributes {dimension_semantics = [#tpu.dimension_semantics<core_parallel>, #tpu.dimension_semantics<subcore_parallel>], iteration_bounds = array<i64: 2, 16>, scalar_prefetch = 0 : i64, scratch_operands = 6 : i64, tpu.core_type = #tpu.core_type<sc_vector_subcore>, window_params = [{transform_indices = #map}, {transform_indices = #map1}, {transform_indices = #map1}, {transform_indices = #map1}, {transform_indices = #map}]} {
    %mul3A = arith.constant 2 : i32
    %mul3A_0 = arith.muli %arg1, %mul3A : i32
    %add3A = arith.addi %mul3A_0, %arg0 : i32
    %mul3A_1 = arith.constant 320 : i32
    %mul3A_2 = arith.muli %add3A, %mul3A_1 : i32
    %sub3A = arith.constant 10000 : i32
    %sub3A_3 = arith.subi %sub3A, %mul3A_2 : i32
    %min3A = arith.constant 320 : i32
    %min3A_4 = arith.minsi %min3A, %sub3A_3 : i32
    %max3A = arith.constant 0 : i32
    %max3A_5 = arith.maxsi %max3A, %min3A_4 : i32
    "tpu.region"() ({
      %run_scoped3A = tpu.sem_alloc : memref<!tpu.dma_semaphore, #tpu.memory_space<semaphore_mem>>
      %dma_start3A_132 = tpu.memref_slice %arg3[%mul3A_2] : memref<10264xi32, #tpu.memory_space<hbm>> -> memref<344xi32, #tpu.memory_space<hbm>>
      %dma_start3A_133 = tpu.memref_slice %arg3[%mul3A_2] : memref<10264xi32, #tpu.memory_space<hbm>> -> memref<344xi32, #tpu.memory_space<hbm>>
      tpu.enqueue_dma source(%dma_start3A_133 : memref<344xi32, #tpu.memory_space<hbm>>) target(%arg7 : memref<344xi32, #tpu.memory_space<vmem>>) target_semaphore(%run_scoped3A : memref<!tpu.dma_semaphore, #tpu.memory_space<semaphore_mem>>)
      %dma_wait3A_134 = tpu.memref_slice %arg3[%mul3A_2] : memref<10264xi32, #tpu.memory_space<hbm>> -> memref<344xi32, #tpu.memory_space<hbm>>
      %dma_wait3A_135 = tpu.memref_slice %arg3[%mul3A_2] : memref<10264xi32, #tpu.memory_space<hbm>> -> memref<344xi32, #tpu.memory_space<hbm>>
      tpu.wait_dma2 semaphore(%run_scoped3A : memref<!tpu.dma_semaphore, #tpu.memory_space<semaphore_mem>>) src(%dma_wait3A_135 : memref<344xi32, #tpu.memory_space<hbm>>) dst(%arg7 : memref<344xi32, #tpu.memory_space<vmem>>)
      tpu.yield
    }) : () -> ()
    "tpu.region"() ({
      %run_scoped3A = tpu.sem_alloc : memref<!tpu.dma_semaphore, #tpu.memory_space<semaphore_mem>>
      %dma_start3A_132 = tpu.memref_slice %arg4[%mul3A_2] : memref<10264xi32, #tpu.memory_space<hbm>> -> memref<344xi32, #tpu.memory_space<hbm>>
      %dma_start3A_133 = tpu.memref_slice %arg4[%mul3A_2] : memref<10264xi32, #tpu.memory_space<hbm>> -> memref<344xi32, #tpu.memory_space<hbm>>
      tpu.enqueue_dma source(%dma_start3A_133 : memref<344xi32, #tpu.memory_space<hbm>>) target(%arg8 : memref<344xi32, #tpu.memory_space<vmem>>) target_semaphore(%run_scoped3A : memref<!tpu.dma_semaphore, #tpu.memory_space<semaphore_mem>>)
      %dma_wait3A_134 = tpu.memref_slice %arg4[%mul3A_2] : memref<10264xi32, #tpu.memory_space<hbm>> -> memref<344xi32, #tpu.memory_space<hbm>>
      %dma_wait3A_135 = tpu.memref_slice %arg4[%mul3A_2] : memref<10264xi32, #tpu.memory_space<hbm>> -> memref<344xi32, #tpu.memory_space<hbm>>
      tpu.wait_dma2 semaphore(%run_scoped3A : memref<!tpu.dma_semaphore, #tpu.memory_space<semaphore_mem>>) src(%dma_wait3A_135 : memref<344xi32, #tpu.memory_space<hbm>>) dst(%arg8 : memref<344xi32, #tpu.memory_space<vmem>>)
      tpu.yield
    }) : () -> ()
    %mul3A_6 = arith.constant 1272 : i32
    %mul3A_7 = arith.muli %add3A, %mul3A_6 : i32
    "tpu.region"() ({
      %run_scoped3A = tpu.sem_alloc : memref<!tpu.dma_semaphore, #tpu.memory_space<semaphore_mem>>
      %dma_start3A_132 = tpu.memref_slice %arg5[%mul3A_7] : memref<40704xi32, #tpu.memory_space<hbm>> -> memref<1272xi32, #tpu.memory_space<hbm>>
      %dma_start3A_133 = tpu.memref_slice %arg5[%mul3A_7] : memref<40704xi32, #tpu.memory_space<hbm>> -> memref<1272xi32, #tpu.memory_space<hbm>>
      tpu.enqueue_dma source(%dma_start3A_133 : memref<1272xi32, #tpu.memory_space<hbm>>) target(%arg9 : memref<1272xi32, #tpu.memory_space<vmem>>) target_semaphore(%run_scoped3A : memref<!tpu.dma_semaphore, #tpu.memory_space<semaphore_mem>>)
      %dma_wait3A_134 = tpu.memref_slice %arg5[%mul3A_7] : memref<40704xi32, #tpu.memory_space<hbm>> -> memref<1272xi32, #tpu.memory_space<hbm>>
      %dma_wait3A_135 = tpu.memref_slice %arg5[%mul3A_7] : memref<40704xi32, #tpu.memory_space<hbm>> -> memref<1272xi32, #tpu.memory_space<hbm>>
      tpu.wait_dma2 semaphore(%run_scoped3A : memref<!tpu.dma_semaphore, #tpu.memory_space<semaphore_mem>>) src(%dma_wait3A_135 : memref<1272xi32, #tpu.memory_space<hbm>>) dst(%arg9 : memref<1272xi32, #tpu.memory_space<vmem>>)
      tpu.yield
    }) : () -> ()
    %get3A = arith.constant 0 : index
    %get3A_8 = tpu.vector_load %arg7[%get3A] {strides = array<i32>} : memref<344xi32, #tpu.memory_space<vmem>>, vector<16xi32>,
    %get3A_9 = vector.shape_cast %get3A_8 : vector<16xi32> to vector<16xi32>
    %slice3A = vector.extract_strided_slice %get3A_9 {offsets = [0], sizes = [1], strides = [1]} : vector<16xi32> to vector<1xi32>
    %squeeze3A = vector.extract %slice3A[0] : i32 from vector<1xi32>
    %get3A_10 = arith.index_cast %max3A_5 : i32 to index
    %get3A_11 = tpu.vector_load %arg7[%get3A_10] {strides = array<i32>} : memref<344xi32, #tpu.memory_space<vmem>>, vector<16xi32>,
    %get3A_12 = vector.shape_cast %get3A_11 : vector<16xi32> to vector<16xi32>
    %slice3A_13 = vector.extract_strided_slice %get3A_12 {offsets = [0], sizes = [1], strides = [1]} : vector<16xi32> to vector<1xi32>
    %squeeze3A_14 = vector.extract %slice3A_13[0] : i32 from vector<1xi32>
    %sub3A_15 = arith.subi %squeeze3A_14, %squeeze3A : i32
    %add3A_16 = arith.constant 256 : i32
    %add3A_17 = arith.addi %sub3A_15, %add3A_16 : i32
    %sub3A_18 = arith.constant 1 : i32
    %sub3A_19 = arith.subi %add3A_17, %sub3A_18 : i32
    %jit3A = arith.constant 256 : i32
    %div3A = arith.divsi %sub3A_19, %jit3A : i32
    %sign3A = arith.constant 0 : i32
    %sign3A_20 = arith.cmpi sgt, %sub3A_19, %sign3A : i32
    %sign3A_21 = arith.extui %sign3A_20 : i1 to i32
    %sign3A_22 = arith.constant 0 : i32
    %sign3A_23 = arith.cmpi slt, %sub3A_19, %sign3A_22 : i32
    %sign3A_24 = arith.extui %sign3A_23 : i1 to i32
    %sign3A_25 = arith.subi %sign3A_21, %sign3A_24 : i32
    %sign3A_26 = arith.constant 0 : i32
    %sign3A_27 = arith.cmpi sgt, %jit3A, %sign3A_26 : i32
    %sign3A_28 = arith.extui %sign3A_27 : i1 to i32
    %sign3A_29 = arith.constant 0 : i32
    %sign3A_30 = arith.cmpi slt, %jit3A, %sign3A_29 : i32
    %sign3A_31 = arith.extui %sign3A_30 : i1 to i32
    %sign3A_32 = arith.subi %sign3A_28, %sign3A_31 : i32
    %ne3A = arith.cmpi ne, %sign3A_25, %sign3A_32 : i32
    %rem3A = arith.remsi %sub3A_19, %jit3A : i32
    %ne3A_33 = arith.constant 0 : i32
    %ne3A_34 = arith.cmpi ne, %rem3A, %ne3A_33 : i32
    %and3A = arith.andi %ne3A, %ne3A_34 : i1
    %sub3A_35 = arith.constant 1 : i32
    %sub3A_36 = arith.subi %div3A, %sub3A_35 : i32
    %select_n3A = arith.select %and3A, %sub3A_36, %div3A : i32
    %broadcast_in_dim3A = arith.constant 0.000000e+00 : f32
    %broadcast_in_dim3A_37 = vector.broadcast %broadcast_in_dim3A : f32 to vector<16xf32>
    %get3A_38 = arith.constant 0 : index
    %get3A_39 = tpu.vector_load %arg8[%get3A_38] {strides = array<i32>} : memref<344xi32, #tpu.memory_space<vmem>>, vector<16xi32>,
    %get3A_40 = vector.shape_cast %get3A_39 : vector<16xi32> to vector<16xi32>
    %slice3A_41 = vector.extract_strided_slice %get3A_40 {offsets = [0], sizes = [1], strides = [1]} : vector<16xi32> to vector<1xi32>
    %squeeze3A_42 = vector.extract %slice3A_41[0] : i32 from vector<1xi32>
    %sub3A_43 = arith.subi %squeeze3A_42, %mul3A_2 : i32
    %jit3A_44 = arith.constant 0 : i32
    %jit3A_45 = arith.constant 327 : i32
    %max3A_46 = arith.maxsi %jit3A_44, %sub3A_43 : i32
    %min3A_47 = arith.minsi %jit3A_45, %max3A_46 : i32
    %add3A_48 = arith.constant 1 : i32
    %add3A_49 = arith.addi %min3A_47, %add3A_48 : i32
    %get3A_50 = arith.index_cast %add3A_49 : i32 to index
    %get3A_51 = tpu.vector_load %arg7[%get3A_50] {strides = array<i32>} : memref<344xi32, #tpu.memory_space<vmem>>, vector<16xi32>,
    %get3A_52 = vector.shape_cast %get3A_51 : vector<16xi32> to vector<16xi32>
    %slice3A_53 = vector.extract_strided_slice %get3A_52 {offsets = [0], sizes = [1], strides = [1]} : vector<16xi32> to vector<1xi32>
    %squeeze3A_54 = vector.extract %slice3A_53[0] : i32 from vector<1xi32>
    %scan3A = arith.constant 0 : i32
    %scan3A_55 = arith.constant 0 : i32
    %scan3A_56 = arith.constant 320 : i32
    %scan3A_57 = arith.addi %scan3A_55, %scan3A_56 : i32
    %scan3A_58 = arith.constant 1 : i32
    %scan3A_59 = scf.for %scan3A_132 = %scan3A_55 to %scan3A_57 step %scan3A_58 iter_args(%scan3A_133 = %scan3A) -> (i32)  : i32 {
      %swap3A = arith.index_cast %scan3A_132 : i32 to index
      %swap3A_134 = arith.constant 0 : index
      %swap3A_135 = tpu.vector_load %arg11[%swap3A, %swap3A_134] {strides = array<i32>} : memref<320x128xf32, #tpu.memory_space<vmem>>, vector<1x16xf32>,
      %swap3A_136 = vector.shape_cast %swap3A_135 : vector<1x16xf32> to vector<16xf32>
      %swap3A_137 = vector.shape_cast %broadcast_in_dim3A_37 : vector<16xf32> to vector<1x16xf32>
      tpu.vector_store %arg11[%swap3A, %swap3A_134], %swap3A_137 {strides = array<i32>} : memref<320x128xf32, #tpu.memory_space<vmem>>, vector<1x16xf32>,
      %swap3A_138 = arith.index_cast %scan3A_132 : i32 to index
      %swap3A_139 = arith.constant 16 : index
      %swap3A_140 = tpu.vector_load %arg11[%swap3A_138, %swap3A_139] {strides = array<i32>} : memref<320x128xf32, #tpu.memory_space<vmem>>, vector<1x16xf32>,
      %swap3A_141 = vector.shape_cast %swap3A_140 : vector<1x16xf32> to vector<16xf32>
      %swap3A_142 = vector.shape_cast %broadcast_in_dim3A_37 : vector<16xf32> to vector<1x16xf32>
      tpu.vector_store %arg11[%swap3A_138, %swap3A_139], %swap3A_142 {strides = array<i32>} : memref<320x128xf32, #tpu.memory_space<vmem>>, vector<1x16xf32>,
      %swap3A_143 = arith.index_cast %scan3A_132 : i32 to index
      %swap3A_144 = arith.constant 32 : index
      %swap3A_145 = tpu.vector_load %arg11[%swap3A_143, %swap3A_144] {strides = array<i32>} : memref<320x128xf32, #tpu.memory_space<vmem>>, vector<1x16xf32>,
      %swap3A_146 = vector.shape_cast %swap3A_145 : vector<1x16xf32> to vector<16xf32>
      %swap3A_147 = vector.shape_cast %broadcast_in_dim3A_37 : vector<16xf32> to vector<1x16xf32>
      tpu.vector_store %arg11[%swap3A_143, %swap3A_144], %swap3A_147 {strides = array<i32>} : memref<320x128xf32, #tpu.memory_space<vmem>>, vector<1x16xf32>,
      %swap3A_148 = arith.index_cast %scan3A_132 : i32 to index
      %swap3A_149 = arith.constant 48 : index
      %swap3A_150 = tpu.vector_load %arg11[%swap3A_148, %swap3A_149] {strides = array<i32>} : memref<320x128xf32, #tpu.memory_space<vmem>>, vector<1x16xf32>,
      %swap3A_151 = vector.shape_cast %swap3A_150 : vector<1x16xf32> to vector<16xf32>
      %swap3A_152 = vector.shape_cast %broadcast_in_dim3A_37 : vector<16xf32> to vector<1x16xf32>
      tpu.vector_store %arg11[%swap3A_148, %swap3A_149], %swap3A_152 {strides = array<i32>} : memref<320x128xf32, #tpu.memory_space<vmem>>, vector<1x16xf32>,
      %swap3A_153 = arith.index_cast %scan3A_132 : i32 to index
      %swap3A_154 = arith.constant 64 : index
      %swap3A_155 = tpu.vector_load %arg11[%swap3A_153, %swap3A_154] {strides = array<i32>} : memref<320x128xf32, #tpu.memory_space<vmem>>, vector<1x16xf32>,
      %swap3A_156 = vector.shape_cast %swap3A_155 : vector<1x16xf32> to vector<16xf32>
      %swap3A_157 = vector.shape_cast %broadcast_in_dim3A_37 : vector<16xf32> to vector<1x16xf32>
      tpu.vector_store %arg11[%swap3A_153, %swap3A_154], %swap3A_157 {strides = array<i32>} : memref<320x128xf32, #tpu.memory_space<vmem>>, vector<1x16xf32>,
      %swap3A_158 = arith.index_cast %scan3A_132 : i32 to index
      %swap3A_159 = arith.constant 80 : index
      %swap3A_160 = tpu.vector_load %arg11[%swap3A_158, %swap3A_159] {strides = array<i32>} : memref<320x128xf32, #tpu.memory_space<vmem>>, vector<1x16xf32>,
      %swap3A_161 = vector.shape_cast %swap3A_160 : vector<1x16xf32> to vector<16xf32>
      %swap3A_162 = vector.shape_cast %broadcast_in_dim3A_37 : vector<16xf32> to vector<1x16xf32>
      tpu.vector_store %arg11[%swap3A_158, %swap3A_159], %swap3A_162 {strides = array<i32>} : memref<320x128xf32, #tpu.memory_space<vmem>>, vector<1x16xf32>,
      %swap3A_163 = arith.index_cast %scan3A_132 : i32 to index
      %swap3A_164 = arith.constant 96 : index
      %swap3A_165 = tpu.vector_load %arg11[%swap3A_163, %swap3A_164] {strides = array<i32>} : memref<320x128xf32, #tpu.memory_space<vmem>>, vector<1x16xf32>,
      %swap3A_166 = vector.shape_cast %swap3A_165 : vector<1x16xf32> to vector<16xf32>
      %swap3A_167 = vector.shape_cast %broadcast_in_dim3A_37 : vector<16xf32> to vector<1x16xf32>
      tpu.vector_store %arg11[%swap3A_163, %swap3A_164], %swap3A_167 {strides = array<i32>} : memref<320x128xf32, #tpu.memory_space<vmem>>, vector<1x16xf32>,
      %swap3A_168 = arith.index_cast %scan3A_132 : i32 to index
      %swap3A_169 = arith.constant 112 : index
      %swap3A_170 = tpu.vector_load %arg11[%swap3A_168, %swap3A_169] {strides = array<i32>} : memref<320x128xf32, #tpu.memory_space<vmem>>, vector<1x16xf32>,
      %swap3A_171 = vector.shape_cast %swap3A_170 : vector<1x16xf32> to vector<16xf32>
      %swap3A_172 = vector.shape_cast %broadcast_in_dim3A_37 : vector<16xf32> to vector<1x16xf32>
      tpu.vector_store %arg11[%swap3A_168, %swap3A_169], %swap3A_172 {strides = array<i32>} : memref<320x128xf32, #tpu.memory_space<vmem>>, vector<1x16xf32>,
      %scan3A_173 = arith.constant 0 : i32
      scf.yield %scan3A_173 : i32
    }
    %scan3A_60 = arith.constant 320 : i32
    %sub3A_61 = arith.constant 1 : i32
    %sub3A_62 = arith.subi %select_n3A, %sub3A_61 : i32
    %max3A_63 = arith.constant 0 : i32
    %max3A_64 = arith.maxsi %sub3A_62, %max3A_63 : i32
    %jit3A_65 = arith.constant 0 : i32
    %jit3A_66 = arith.constant 0 : i32
    %max3A_67 = arith.maxsi %jit3A_66, %jit3A_65 : i32
    %min3A_68 = arith.minsi %max3A_64, %max3A_67 : i32
    %mul3A_69 = arith.constant 256 : i32
    %mul3A_70 = arith.muli %min3A_68, %mul3A_69 : i32
    %add3A_71 = arith.addi %squeeze3A, %mul3A_70 : i32
    %jit3A_72 = arith.constant 8 : i32
    %div3A_73 = arith.divsi %add3A_71, %jit3A_72 : i32
    %sign3A_74 = arith.constant 0 : i32
    %sign3A_75 = arith.cmpi sgt, %add3A_71, %sign3A_74 : i32
    %sign3A_76 = arith.extui %sign3A_75 : i1 to i32
    %sign3A_77 = arith.constant 0 : i32
    %sign3A_78 = arith.cmpi slt, %add3A_71, %sign3A_77 : i32
    %sign3A_79 = arith.extui %sign3A_78 : i1 to i32
    %sign3A_80 = arith.subi %sign3A_76, %sign3A_79 : i32
    %sign3A_81 = arith.constant 0 : i32
    %sign3A_82 = arith.cmpi sgt, %jit3A_72, %sign3A_81 : i32
    %sign3A_83 = arith.extui %sign3A_82 : i1 to i32
    %sign3A_84 = arith.constant 0 : i32
    %sign3A_85 = arith.cmpi slt, %jit3A_72, %sign3A_84 : i32
    %sign3A_86 = arith.extui %sign3A_85 : i1 to i32
    %sign3A_87 = arith.subi %sign3A_83, %sign3A_86 : i32
    %ne3A_88 = arith.cmpi ne, %sign3A_80, %sign3A_87 : i32
    %rem3A_89 = arith.remsi %add3A_71, %jit3A_72 : i32
    %ne3A_90 = arith.constant 0 : i32
    %ne3A_91 = arith.cmpi ne, %rem3A_89, %ne3A_90 : i32
    %and3A_92 = arith.andi %ne3A_88, %ne3A_91 : i1
    %sub3A_93 = arith.constant 1 : i32
    %sub3A_94 = arith.subi %div3A_73, %sub3A_93 : i32
    %select_n3A_95 = arith.select %and3A_92, %sub3A_94, %div3A_73 : i32
    %mul3A_96 = arith.constant 8 : i32
    %mul3A_97 = arith.muli %select_n3A_95, %mul3A_96 : i32
    %jit3A_98 = arith.constant 0 : i32
    %jit3A_99 = arith.constant 319736 : i32
    %max3A_100 = arith.maxsi %jit3A_98, %mul3A_97 : i32
    %min3A_101 = arith.minsi %jit3A_99, %max3A_100 : i32
    %multiple_of3A = tpu.assume_multiple %min3A_101, 8 : i32
    %multiple_of3A_102 = arith.constant 0 : i32
    %multiple_of3A_103 = tpu.assume_multiple %multiple_of3A_102, 8 : i32
    %dma_start3A = arith.constant 0 : i32
    %dma_start3A_104 = tpu.memref_slice %arg10[%multiple_of3A_103, %dma_start3A] : memref<528x128xf32, #tpu.memory_space<vmem>> -> memref<264x128xf32, #tpu.memory_space<vmem>>
    %dma_start3A_105 = arith.constant 0 : i32
    %dma_start3A_106 = tpu.memref_slice %arg2[%multiple_of3A, %dma_start3A_105] : memref<320000x128xf32, #tpu.memory_space<hbm>> -> memref<264x128xf32, #tpu.memory_space<hbm>>
    %dma_start3A_107 = arith.constant 0 : i32
    %dma_start3A_108 = tpu.memref_slice %arg10[%multiple_of3A_103, %dma_start3A_107] : memref<528x128xf32, #tpu.memory_space<vmem>> -> memref<264x128xf32, #tpu.memory_space<vmem>>
    %dma_start3A_109 = arith.constant 0 : i32
    %dma_start3A_110 = tpu.memref_slice %arg2[%multiple_of3A, %dma_start3A_109] : memref<320000x128xf32, #tpu.memory_space<hbm>> -> memref<264x128xf32, #tpu.memory_space<hbm>>
    tpu.enqueue_dma source(%dma_start3A_110 : memref<264x128xf32, #tpu.memory_space<hbm>>) target(%dma_start3A_108 : memref<264x128xf32, #tpu.memory_space<vmem>>) target_semaphore(%arg12 : memref<!tpu.dma_semaphore, #tpu.memory_space<semaphore_mem>>)
    %while3A = arith.constant 0 : i32
    %while3A_111 = arith.subi %select_n3A, %while3A : i32
    %while3A_112 = arith.addi %while3A, %while3A_111 : i32
    %while3A_113 = arith.constant 1 : i32
    %while3A_114 = arith.divsi %while3A_111, %while3A_113 : i32
    %while3A_115 = arith.muli %while3A_114, %while3A_113 : i32
    %while3A_116 = arith.addi %while3A, %while3A_115 : i32
    %while3A_117 = arith.constant 1 : i32
    %while3A_118:11 = scf.for %while3A_132 = %while3A to %while3A_116 step %while3A_117 iter_args(%while3A_133 = %squeeze3A, %while3A_134 = %min3A_47, %while3A_135 = %squeeze3A_54, %while3A_136 = %broadcast_in_dim3A_37, %while3A_137 = %broadcast_in_dim3A_37, %while3A_138 = %broadcast_in_dim3A_37, %while3A_139 = %broadcast_in_dim3A_37, %while3A_140 = %broadcast_in_dim3A_37, %while3A_141 = %broadcast_in_dim3A_37, %while3A_142 = %broadcast_in_dim3A_37, %while3A_143 = %broadcast_in_dim3A_37) -> (i32, i32, i32, vector<16xf32>, vector<16xf32>, vector<16xf32>, vector<16xf32>, vector<16xf32>, vector<16xf32>, vector<16xf32>, vector<16xf32>)  : i32 {
      %dma_wait3A_144 = arith.constant 0 : i32
      %dma_wait3A_145 = arith.constant 0 : i32
      %dma_wait3A_146 = tpu.memref_slice %arg10[%dma_wait3A_144, %dma_wait3A_145] : memref<528x128xf32, #tpu.memory_space<vmem>> -> memref<264x128xf32, #tpu.memory_space<vmem>>
      %dma_wait3A_147 = arith.constant 0 : i32
      %dma_wait3A_148 = arith.constant 0 : i32
      %dma_wait3A_149 = tpu.memref_slice %arg2[%dma_wait3A_147, %dma_wait3A_148] : memref<320000x128xf32, #tpu.memory_space<hbm>> -> memref<264x128xf32, #tpu.memory_space<hbm>>
      %dma_wait3A_150 = arith.constant 0 : i32
      %dma_wait3A_151 = arith.constant 0 : i32
      %dma_wait3A_152 = tpu.memref_slice %arg10[%dma_wait3A_150, %dma_wait3A_151] : memref<528x128xf32, #tpu.memory_space<vmem>> -> memref<264x128xf32, #tpu.memory_space<vmem>>
      %dma_wait3A_153 = arith.constant 0 : i32
      %dma_wait3A_154 = arith.constant 0 : i32
      %dma_wait3A_155 = tpu.memref_slice %arg2[%dma_wait3A_153, %dma_wait3A_154] : memref<320000x128xf32, #tpu.memory_space<hbm>> -> memref<264x128xf32, #tpu.memory_space<hbm>>
      tpu.wait_dma2 semaphore(%arg12 : memref<!tpu.dma_semaphore, #tpu.memory_space<semaphore_mem>>) src(%dma_wait3A_155 : memref<264x128xf32, #tpu.memory_space<hbm>>) dst(%dma_wait3A_152 : memref<264x128xf32, #tpu.memory_space<vmem>>)
      %add3A_156 = arith.constant 1 : i32
      %add3A_157 = arith.addi %while3A_132, %add3A_156 : i32
      %sub3A_158 = arith.constant 1 : i32
      %sub3A_159 = arith.subi %select_n3A, %sub3A_158 : i32
      %max3A_160 = arith.constant 0 : i32
      %max3A_161 = arith.maxsi %sub3A_159, %max3A_160 : i32
      %jit3A_162 = arith.constant 0 : i32
      %max3A_163 = arith.maxsi %jit3A_162, %add3A_157 : i32
      %min3A_164 = arith.minsi %max3A_161, %max3A_163 : i32
      %mul3A_165 = arith.constant 256 : i32
      %mul3A_166 = arith.muli %min3A_164, %mul3A_165 : i32
      %add3A_167 = arith.addi %squeeze3A, %mul3A_166 : i32
      %jit3A_168 = arith.constant 8 : i32
      %div3A_169 = arith.divsi %add3A_167, %jit3A_168 : i32
      %sign3A_170 = arith.constant 0 : i32
      %sign3A_171 = arith.cmpi sgt, %add3A_167, %sign3A_170 : i32
      %sign3A_172 = arith.extui %sign3A_171 : i1 to i32
      %sign3A_173 = arith.constant 0 : i32
      %sign3A_174 = arith.cmpi slt, %add3A_167, %sign3A_173 : i32
      %sign3A_175 = arith.extui %sign3A_174 : i1 to i32
      %sign3A_176 = arith.subi %sign3A_172, %sign3A_175 : i32
      %sign3A_177 = arith.constant 0 : i32
      %sign3A_178 = arith.cmpi sgt, %jit3A_168, %sign3A_177 : i32
      %sign3A_179 = arith.extui %sign3A_178 : i1 to i32
      %sign3A_180 = arith.constant 0 : i32
      %sign3A_181 = arith.cmpi slt, %jit3A_168, %sign3A_180 : i32
      %sign3A_182 = arith.extui %sign3A_181 : i1 to i32
      %sign3A_183 = arith.subi %sign3A_179, %sign3A_182 : i32
      %ne3A_184 = arith.cmpi ne, %sign3A_176, %sign3A_183 : i32
      %rem3A_185 = arith.remsi %add3A_167, %jit3A_168 : i32
      %ne3A_186 = arith.constant 0 : i32
      %ne3A_187 = arith.cmpi ne, %rem3A_185, %ne3A_186 : i32
      %and3A_188 = arith.andi %ne3A_184, %ne3A_187 : i1
      %sub3A_189 = arith.constant 1 : i32
      %sub3A_190 = arith.subi %div3A_169, %sub3A_189 : i32
      %select_n3A_191 = arith.select %and3A_188, %sub3A_190, %div3A_169 : i32
      %mul3A_192 = arith.constant 8 : i32
      %mul3A_193 = arith.muli %select_n3A_191, %mul3A_192 : i32
      %jit3A_194 = arith.constant 0 : i32
      %jit3A_195 = arith.constant 319736 : i32
      %max3A_196 = arith.maxsi %jit3A_194, %mul3A_193 : i32
      %min3A_197 = arith.minsi %jit3A_195, %max3A_196 : i32
      %multiple_of3A_198 = tpu.assume_multiple %min3A_197, 8 : i32
      %jit3A_199 = arith.constant 2 : i32
      %eq3A = arith.constant 0 : i32
      %eq3A_200 = arith.cmpi eq, %jit3A_199, %eq3A : i32
      %jit3A_201 = arith.constant 1 : i32
      %select_n3A_202 = arith.select %eq3A_200, %jit3A_201, %jit3A_199 : i32
      %rem3A_203 = arith.remsi %add3A_157, %select_n3A_202 : i32
      %ne3A_204 = arith.constant 0 : i32
      %ne3A_205 = arith.cmpi ne, %rem3A_203, %ne3A_204 : i32
      %lt3A = arith.constant 0 : i32
      %lt3A_206 = arith.cmpi slt, %rem3A_203, %lt3A : i32
      %lt3A_207 = arith.constant 0 : i32
      %lt3A_208 = arith.cmpi slt, %select_n3A_202, %lt3A_207 : i32
      %ne3A_209 = arith.xori %lt3A_206, %lt3A_208 : i1
      %and3A_210 = arith.andi %ne3A_209, %ne3A_205 : i1
      %add3A_211 = arith.addi %rem3A_203, %select_n3A_202 : i32
      %select_n3A_212 = arith.select %and3A_210, %add3A_211, %rem3A_203 : i32
      %mul3A_213 = arith.constant 264 : i32
      %mul3A_214 = arith.muli %select_n3A_212, %mul3A_213 : i32
      %multiple_of3A_215 = tpu.assume_multiple %mul3A_214, 8 : i32
      %dma_start3A_216 = arith.constant 0 : i32
      %dma_start3A_217 = tpu.memref_slice %arg10[%multiple_of3A_215, %dma_start3A_216] : memref<528x128xf32, #tpu.memory_space<vmem>> -> memref<264x128xf32, #tpu.memory_space<vmem>>
      %dma_start3A_218 = arith.constant 0 : i32
      %dma_start3A_219 = tpu.memref_slice %arg2[%multiple_of3A_198, %dma_start3A_218] : memref<320000x128xf32, #tpu.memory_space<hbm>> -> memref<264x128xf32, #tpu.memory_space<hbm>>
      %dma_start3A_220 = arith.constant 0 : i32
      %dma_start3A_221 = tpu.memref_slice %arg10[%multiple_of3A_215, %dma_start3A_220] : memref<528x128xf32, #tpu.memory_space<vmem>> -> memref<264x128xf32, #tpu.memory_space<vmem>>
      %dma_start3A_222 = arith.constant 0 : i32
      %dma_start3A_223 = tpu.memref_slice %arg2[%multiple_of3A_198, %dma_start3A_222] : memref<320000x128xf32, #tpu.memory_space<hbm>> -> memref<264x128xf32, #tpu.memory_space<hbm>>
      tpu.enqueue_dma source(%dma_start3A_223 : memref<264x128xf32, #tpu.memory_space<hbm>>) target(%dma_start3A_221 : memref<264x128xf32, #tpu.memory_space<vmem>>) target_semaphore(%arg12 : memref<!tpu.dma_semaphore, #tpu.memory_space<semaphore_mem>>)
      %mul3A_224 = arith.constant 256 : i32
      %mul3A_225 = arith.muli %while3A_132, %mul3A_224 : i32
      %add3A_226 = arith.addi %squeeze3A, %mul3A_225 : i32
      %sub3A_227 = arith.constant 1 : i32
      %sub3A_228 = arith.subi %select_n3A, %sub3A_227 : i32
      %max3A_229 = arith.constant 0 : i32
      %max3A_230 = arith.maxsi %sub3A_228, %max3A_229 : i32
      %jit3A_231 = arith.constant 0 : i32
      %max3A_232 = arith.maxsi %jit3A_231, %while3A_132 : i32
      %min3A_233 = arith.minsi %max3A_230, %max3A_232 : i32
      %mul3A_234 = arith.constant 256 : i32
      %mul3A_235 = arith.muli %min3A_233, %mul3A_234 : i32
      %add3A_236 = arith.addi %squeeze3A, %mul3A_235 : i32
      %jit3A_237 = arith.constant 8 : i32
      %div3A_238 = arith.divsi %add3A_236, %jit3A_237 : i32
      %sign3A_239 = arith.constant 0 : i32
      %sign3A_240 = arith.cmpi sgt, %add3A_236, %sign3A_239 : i32
      %sign3A_241 = arith.extui %sign3A_240 : i1 to i32
      %sign3A_242 = arith.constant 0 : i32
      %sign3A_243 = arith.cmpi slt, %add3A_236, %sign3A_242 : i32
      %sign3A_244 = arith.extui %sign3A_243 : i1 to i32
      %sign3A_245 = arith.subi %sign3A_241, %sign3A_244 : i32
      %sign3A_246 = arith.constant 0 : i32
      %sign3A_247 = arith.cmpi sgt, %jit3A_237, %sign3A_246 : i32
      %sign3A_248 = arith.extui %sign3A_247 : i1 to i32
      %sign3A_249 = arith.constant 0 : i32
      %sign3A_250 = arith.cmpi slt, %jit3A_237, %sign3A_249 : i32
      %sign3A_251 = arith.extui %sign3A_250 : i1 to i32
      %sign3A_252 = arith.subi %sign3A_248, %sign3A_251 : i32
      %ne3A_253 = arith.cmpi ne, %sign3A_245, %sign3A_252 : i32
      %rem3A_254 = arith.remsi %add3A_236, %jit3A_237 : i32
      %ne3A_255 = arith.constant 0 : i32
      %ne3A_256 = arith.cmpi ne, %rem3A_254, %ne3A_255 : i32
      %and3A_257 = arith.andi %ne3A_253, %ne3A_256 : i1
      %sub3A_258 = arith.constant 1 : i32
      %sub3A_259 = arith.subi %div3A_238, %sub3A_258 : i32
      %select_n3A_260 = arith.select %and3A_257, %sub3A_259, %div3A_238 : i32
      %mul3A_261 = arith.constant 8 : i32
      %mul3A_262 = arith.muli %select_n3A_260, %mul3A_261 : i32
      %jit3A_263 = arith.constant 0 : i32
      %jit3A_264 = arith.constant 319736 : i32
      %max3A_265 = arith.maxsi %jit3A_263, %mul3A_262 : i32
      %min3A_266 = arith.minsi %jit3A_264, %max3A_265 : i32
      %multiple_of3A_267 = tpu.assume_multiple %min3A_266, 8 : i32
      %jit3A_268 = arith.constant 2 : i32
      %eq3A_269 = arith.constant 0 : i32
      %eq3A_270 = arith.cmpi eq, %jit3A_268, %eq3A_269 : i32
      %jit3A_271 = arith.constant 1 : i32
      %select_n3A_272 = arith.select %eq3A_270, %jit3A_271, %jit3A_268 : i32
      %rem3A_273 = arith.remsi %while3A_132, %select_n3A_272 : i32
      %ne3A_274 = arith.constant 0 : i32
      %ne3A_275 = arith.cmpi ne, %rem3A_273, %ne3A_274 : i32
      %lt3A_276 = arith.constant 0 : i32
      %lt3A_277 = arith.cmpi slt, %rem3A_273, %lt3A_276 : i32
      %lt3A_278 = arith.constant 0 : i32
      %lt3A_279 = arith.cmpi slt, %select_n3A_272, %lt3A_278 : i32
      %ne3A_280 = arith.xori %lt3A_277, %lt3A_279 : i1
      %and3A_281 = arith.andi %ne3A_280, %ne3A_275 : i1
      %add3A_282 = arith.addi %rem3A_273, %select_n3A_272 : i32
      %select_n3A_283 = arith.select %and3A_281, %add3A_282, %rem3A_273 : i32
      %mul3A_284 = arith.constant 264 : i32
      %mul3A_285 = arith.muli %select_n3A_283, %mul3A_284 : i32
      %multiple_of3A_286 = tpu.assume_multiple %mul3A_285, 8 : i32
      %sub3A_287 = arith.subi %multiple_of3A_267, %multiple_of3A_286 : i32
      %add3A_288 = arith.constant 256 : i32
      %add3A_289 = arith.addi %add3A_226, %add3A_288 : i32
      %min3A_290 = arith.minsi %add3A_289, %squeeze3A_14 : i32
      %get3A_291 = arith.index_cast %while3A_132 : i32 to index
      %get3A_292 = tpu.vector_load %arg9[%get3A_291] {strides = array<i32>} : memref<1272xi32, #tpu.memory_space<vmem>>, vector<16xi32>,
      %get3A_293 = vector.shape_cast %get3A_292 : vector<16xi32> to vector<16xi32>
      %slice3A_294 = vector.extract_strided_slice %get3A_293 {offsets = [0], sizes = [1], strides = [1]} : vector<16xi32> to vector<1xi32>
      %squeeze3A_295 = vector.extract %slice3A_294[0] : i32 from vector<1xi32>
      %while3A_296 = arith.constant 0 : i32
      %while3A_297 = arith.subi %squeeze3A_295, %while3A_296 : i32
      %while3A_298 = arith.addi %while3A_296, %while3A_297 : i32
      %while3A_299 = arith.constant 1 : i32
      %while3A_300 = arith.divsi %while3A_297, %while3A_299 : i32
      %while3A_301 = arith.muli %while3A_300, %while3A_299 : i32
      %while3A_302 = arith.addi %while3A_296, %while3A_301 : i32
      %while3A_303 = arith.constant 1 : i32
      %while3A_304:11 = scf.for %while3A_307 = %while3A_296 to %while3A_302 step %while3A_303 iter_args(%while3A_308 = %while3A_133, %while3A_309 = %while3A_134, %while3A_310 = %while3A_135, %while3A_311 = %while3A_136, %while3A_312 = %while3A_137, %while3A_313 = %while3A_138, %while3A_314 = %while3A_139, %while3A_315 = %while3A_140, %while3A_316 = %while3A_141, %while3A_317 = %while3A_142, %while3A_318 = %while3A_143) -> (i32, i32, i32, vector<16xf32>, vector<16xf32>, vector<16xf32>, vector<16xf32>, vector<16xf32>, vector<16xf32>, vector<16xf32>, vector<16xf32>)  : i32 {
        %min3A_319 = arith.minsi %while3A_310, %min3A_290 : i32
        %parallel_loop3A = arith.constant 1 : i32
        %parallel_loop3A_320:8 = scf.for %parallel_loop3A_353 = %while3A_308 to %min3A_319 step %parallel_loop3A iter_args(%parallel_loop3A_354 = %while3A_311, %parallel_loop3A_355 = %while3A_312, %parallel_loop3A_356 = %while3A_313, %parallel_loop3A_357 = %while3A_314, %parallel_loop3A_358 = %while3A_315, %parallel_loop3A_359 = %while3A_316, %parallel_loop3A_360 = %while3A_317, %parallel_loop3A_361 = %while3A_318) -> (vector<16xf32>, vector<16xf32>, vector<16xf32>, vector<16xf32>, vector<16xf32>, vector<16xf32>, vector<16xf32>, vector<16xf32>)  : i32 {
          %parallel_loop3A_362 = arith.subi %parallel_loop3A_353, %sub3A_287 : i32
          %parallel_loop3A_363 = arith.index_cast %parallel_loop3A_362 : i32 to index
          %parallel_loop3A_364 = arith.constant 0 : index
          %parallel_loop3A_365 = tpu.vector_load %arg10[%parallel_loop3A_363, %parallel_loop3A_364] {strides = array<i32>} : memref<528x128xf32, #tpu.memory_space<vmem>>, vector<1x16xf32>,
          %parallel_loop3A_366 = vector.shape_cast %parallel_loop3A_365 : vector<1x16xf32> to vector<16xf32>
          %parallel_loop3A_367 = arith.addf %parallel_loop3A_354, %parallel_loop3A_366 : vector<16xf32>
          %parallel_loop3A_368 = arith.subi %parallel_loop3A_353, %sub3A_287 : i32
          %parallel_loop3A_369 = arith.index_cast %parallel_loop3A_368 : i32 to index
          %parallel_loop3A_370 = arith.constant 16 : index
          %parallel_loop3A_371 = tpu.vector_load %arg10[%parallel_loop3A_369, %parallel_loop3A_370] {strides = array<i32>} : memref<528x128xf32, #tpu.memory_space<vmem>>, vector<1x16xf32>,
          %parallel_loop3A_372 = vector.shape_cast %parallel_loop3A_371 : vector<1x16xf32> to vector<16xf32>
          %parallel_loop3A_373 = arith.addf %parallel_loop3A_355, %parallel_loop3A_372 : vector<16xf32>
          %parallel_loop3A_374 = arith.subi %parallel_loop3A_353, %sub3A_287 : i32
          %parallel_loop3A_375 = arith.index_cast %parallel_loop3A_374 : i32 to index
          %parallel_loop3A_376 = arith.constant 32 : index
          %parallel_loop3A_377 = tpu.vector_load %arg10[%parallel_loop3A_375, %parallel_loop3A_376] {strides = array<i32>} : memref<528x128xf32, #tpu.memory_space<vmem>>, vector<1x16xf32>,
          %parallel_loop3A_378 = vector.shape_cast %parallel_loop3A_377 : vector<1x16xf32> to vector<16xf32>
          %parallel_loop3A_379 = arith.addf %parallel_loop3A_356, %parallel_loop3A_378 : vector<16xf32>
          %parallel_loop3A_380 = arith.subi %parallel_loop3A_353, %sub3A_287 : i32
          %parallel_loop3A_381 = arith.index_cast %parallel_loop3A_380 : i32 to index
          %parallel_loop3A_382 = arith.constant 48 : index
          %parallel_loop3A_383 = tpu.vector_load %arg10[%parallel_loop3A_381, %parallel_loop3A_382] {strides = array<i32>} : memref<528x128xf32, #tpu.memory_space<vmem>>, vector<1x16xf32>,
          %parallel_loop3A_384 = vector.shape_cast %parallel_loop3A_383 : vector<1x16xf32> to vector<16xf32>
          %parallel_loop3A_385 = arith.addf %parallel_loop3A_357, %parallel_loop3A_384 : vector<16xf32>
          %parallel_loop3A_386 = arith.subi %parallel_loop3A_353, %sub3A_287 : i32
          %parallel_loop3A_387 = arith.index_cast %parallel_loop3A_386 : i32 to index
          %parallel_loop3A_388 = arith.constant 64 : index
          %parallel_loop3A_389 = tpu.vector_load %arg10[%parallel_loop3A_387, %parallel_loop3A_388] {strides = array<i32>} : memref<528x128xf32, #tpu.memory_space<vmem>>, vector<1x16xf32>,
          %parallel_loop3A_390 = vector.shape_cast %parallel_loop3A_389 : vector<1x16xf32> to vector<16xf32>
          %parallel_loop3A_391 = arith.addf %parallel_loop3A_358, %parallel_loop3A_390 : vector<16xf32>
          %parallel_loop3A_392 = arith.subi %parallel_loop3A_353, %sub3A_287 : i32
          %parallel_loop3A_393 = arith.index_cast %parallel_loop3A_392 : i32 to index
          %parallel_loop3A_394 = arith.constant 80 : index
          %parallel_loop3A_395 = tpu.vector_load %arg10[%parallel_loop3A_393, %parallel_loop3A_394] {strides = array<i32>} : memref<528x128xf32, #tpu.memory_space<vmem>>, vector<1x16xf32>,
          %parallel_loop3A_396 = vector.shape_cast %parallel_loop3A_395 : vector<1x16xf32> to vector<16xf32>
          %parallel_loop3A_397 = arith.addf %parallel_loop3A_359, %parallel_loop3A_396 : vector<16xf32>
          %parallel_loop3A_398 = arith.subi %parallel_loop3A_353, %sub3A_287 : i32
          %parallel_loop3A_399 = arith.index_cast %parallel_loop3A_398 : i32 to index
          %parallel_loop3A_400 = arith.constant 96 : index
          %parallel_loop3A_401 = tpu.vector_load %arg10[%parallel_loop3A_399, %parallel_loop3A_400] {strides = array<i32>} : memref<528x128xf32, #tpu.memory_space<vmem>>, vector<1x16xf32>,
          %parallel_loop3A_402 = vector.shape_cast %parallel_loop3A_401 : vector<1x16xf32> to vector<16xf32>
          %parallel_loop3A_403 = arith.addf %parallel_loop3A_360, %parallel_loop3A_402 : vector<16xf32>
          %parallel_loop3A_404 = arith.subi %parallel_loop3A_353, %sub3A_287 : i32
          %parallel_loop3A_405 = arith.index_cast %parallel_loop3A_404 : i32 to index
          %parallel_loop3A_406 = arith.constant 112 : index
          %parallel_loop3A_407 = tpu.vector_load %arg10[%parallel_loop3A_405, %parallel_loop3A_406] {strides = array<i32>} : memref<528x128xf32, #tpu.memory_space<vmem>>, vector<1x16xf32>,
          %parallel_loop3A_408 = vector.shape_cast %parallel_loop3A_407 : vector<1x16xf32> to vector<16xf32>
          %parallel_loop3A_409 = arith.addf %parallel_loop3A_361, %parallel_loop3A_408 : vector<16xf32>
          scf.yield %parallel_loop3A_367, %parallel_loop3A_373, %parallel_loop3A_379, %parallel_loop3A_385, %parallel_loop3A_391, %parallel_loop3A_397, %parallel_loop3A_403, %parallel_loop3A_409 : vector<16xf32>, vector<16xf32>, vector<16xf32>, vector<16xf32>, vector<16xf32>, vector<16xf32>, vector<16xf32>, vector<16xf32>
        } {sc.loop_unroll_factor = 4 : i64, sc.parallel_access}
        %eq3A_321 = arith.cmpi eq, %min3A_319, %while3A_310 : i32
        %lt3A_322 = arith.cmpi slt, %while3A_309, %max3A_5 : i32
        %and3A_323 = arith.andi %eq3A_321, %lt3A_322 : i1
        %convert_element_type3A = arith.extui %and3A_323 : i1 to i32
        %cond3A = arith.constant 0 : i32
        %cond3A_324 = arith.cmpi ne, %convert_element_type3A, %cond3A : i32
        scf.if %cond3A_324 {
          %swap3A = arith.index_cast %while3A_309 : i32 to index
          %swap3A_353 = arith.constant 0 : index
          %swap3A_354 = tpu.vector_load %arg11[%swap3A, %swap3A_353] {strides = array<i32>} : memref<320x128xf32, #tpu.memory_space<vmem>>, vector<1x16xf32>,
          %swap3A_355 = vector.shape_cast %swap3A_354 : vector<1x16xf32> to vector<16xf32>
          %swap3A_356 = vector.shape_cast %parallel_loop3A_320#0 : vector<16xf32> to vector<1x16xf32>
          tpu.vector_store %arg11[%swap3A, %swap3A_353], %swap3A_356 {strides = array<i32>} : memref<320x128xf32, #tpu.memory_space<vmem>>, vector<1x16xf32>,
          %swap3A_357 = arith.index_cast %while3A_309 : i32 to index
          %swap3A_358 = arith.constant 16 : index
          %swap3A_359 = tpu.vector_load %arg11[%swap3A_357, %swap3A_358] {strides = array<i32>} : memref<320x128xf32, #tpu.memory_space<vmem>>, vector<1x16xf32>,
          %swap3A_360 = vector.shape_cast %swap3A_359 : vector<1x16xf32> to vector<16xf32>
          %swap3A_361 = vector.shape_cast %parallel_loop3A_320#1 : vector<16xf32> to vector<1x16xf32>
          tpu.vector_store %arg11[%swap3A_357, %swap3A_358], %swap3A_361 {strides = array<i32>} : memref<320x128xf32, #tpu.memory_space<vmem>>, vector<1x16xf32>,
          %swap3A_362 = arith.index_cast %while3A_309 : i32 to index
          %swap3A_363 = arith.constant 32 : index
          %swap3A_364 = tpu.vector_load %arg11[%swap3A_362, %swap3A_363] {strides = array<i32>} : memref<320x128xf32, #tpu.memory_space<vmem>>, vector<1x16xf32>,
          %swap3A_365 = vector.shape_cast %swap3A_364 : vector<1x16xf32> to vector<16xf32>
          %swap3A_366 = vector.shape_cast %parallel_loop3A_320#2 : vector<16xf32> to vector<1x16xf32>
          tpu.vector_store %arg11[%swap3A_362, %swap3A_363], %swap3A_366 {strides = array<i32>} : memref<320x128xf32, #tpu.memory_space<vmem>>, vector<1x16xf32>,
          %swap3A_367 = arith.index_cast %while3A_309 : i32 to index
          %swap3A_368 = arith.constant 48 : index
          %swap3A_369 = tpu.vector_load %arg11[%swap3A_367, %swap3A_368] {strides = array<i32>} : memref<320x128xf32, #tpu.memory_space<vmem>>, vector<1x16xf32>,
          %swap3A_370 = vector.shape_cast %swap3A_369 : vector<1x16xf32> to vector<16xf32>
          %swap3A_371 = vector.shape_cast %parallel_loop3A_320#3 : vector<16xf32> to vector<1x16xf32>
          tpu.vector_store %arg11[%swap3A_367, %swap3A_368], %swap3A_371 {strides = array<i32>} : memref<320x128xf32, #tpu.memory_space<vmem>>, vector<1x16xf32>,
          %swap3A_372 = arith.index_cast %while3A_309 : i32 to index
          %swap3A_373 = arith.constant 64 : index
          %swap3A_374 = tpu.vector_load %arg11[%swap3A_372, %swap3A_373] {strides = array<i32>} : memref<320x128xf32, #tpu.memory_space<vmem>>, vector<1x16xf32>,
          %swap3A_375 = vector.shape_cast %swap3A_374 : vector<1x16xf32> to vector<16xf32>
          %swap3A_376 = vector.shape_cast %parallel_loop3A_320#4 : vector<16xf32> to vector<1x16xf32>
          tpu.vector_store %arg11[%swap3A_372, %swap3A_373], %swap3A_376 {strides = array<i32>} : memref<320x128xf32, #tpu.memory_space<vmem>>, vector<1x16xf32>,
          %swap3A_377 = arith.index_cast %while3A_309 : i32 to index
          %swap3A_378 = arith.constant 80 : index
          %swap3A_379 = tpu.vector_load %arg11[%swap3A_377, %swap3A_378] {strides = array<i32>} : memref<320x128xf32, #tpu.memory_space<vmem>>, vector<1x16xf32>,
          %swap3A_380 = vector.shape_cast %swap3A_379 : vector<1x16xf32> to vector<16xf32>
          %swap3A_381 = vector.shape_cast %parallel_loop3A_320#5 : vector<16xf32> to vector<1x16xf32>
          tpu.vector_store %arg11[%swap3A_377, %swap3A_378], %swap3A_381 {strides = array<i32>} : memref<320x128xf32, #tpu.memory_space<vmem>>, vector<1x16xf32>,
          %swap3A_382 = arith.index_cast %while3A_309 : i32 to index
          %swap3A_383 = arith.constant 96 : index
          %swap3A_384 = tpu.vector_load %arg11[%swap3A_382, %swap3A_383] {strides = array<i32>} : memref<320x128xf32, #tpu.memory_space<vmem>>, vector<1x16xf32>,
          %swap3A_385 = vector.shape_cast %swap3A_384 : vector<1x16xf32> to vector<16xf32>
          %swap3A_386 = vector.shape_cast %parallel_loop3A_320#6 : vector<16xf32> to vector<1x16xf32>
          tpu.vector_store %arg11[%swap3A_382, %swap3A_383], %swap3A_386 {strides = array<i32>} : memref<320x128xf32, #tpu.memory_space<vmem>>, vector<1x16xf32>,
          %swap3A_387 = arith.index_cast %while3A_309 : i32 to index
          %swap3A_388 = arith.constant 112 : index
          %swap3A_389 = tpu.vector_load %arg11[%swap3A_387, %swap3A_388] {strides = array<i32>} : memref<320x128xf32, #tpu.memory_space<vmem>>, vector<1x16xf32>,
          %swap3A_390 = vector.shape_cast %swap3A_389 : vector<1x16xf32> to vector<16xf32>
          %swap3A_391 = vector.shape_cast %parallel_loop3A_320#7 : vector<16xf32> to vector<1x16xf32>
          tpu.vector_store %arg11[%swap3A_387, %swap3A_388], %swap3A_391 {strides = array<i32>} : memref<320x128xf32, #tpu.memory_space<vmem>>, vector<1x16xf32>,
        } else {
        }
        %add3A_325 = arith.constant 1 : i32
        %add3A_326 = arith.addi %while3A_309, %add3A_325 : i32
        %get3A_327 = arith.index_cast %add3A_326 : i32 to index
        %get3A_328 = tpu.vector_load %arg8[%get3A_327] {strides = array<i32>} : memref<344xi32, #tpu.memory_space<vmem>>, vector<16xi32>,
        %get3A_329 = vector.shape_cast %get3A_328 : vector<16xi32> to vector<16xi32>
        %slice3A_330 = vector.extract_strided_slice %get3A_329 {offsets = [0], sizes = [1], strides = [1]} : vector<16xi32> to vector<1xi32>
        %squeeze3A_331 = vector.extract %slice3A_330[0] : i32 from vector<1xi32>
        %sub3A_332 = arith.subi %squeeze3A_331, %mul3A_2 : i32
        %jit3A_333 = arith.constant 0 : i32
        %jit3A_334 = arith.constant 327 : i32
        %max3A_335 = arith.maxsi %jit3A_333, %sub3A_332 : i32
        %min3A_336 = arith.minsi %jit3A_334, %max3A_335 : i32
        %select_n3A_337 = arith.select %and3A_323, %min3A_336, %while3A_309 : i32
        %add3A_338 = arith.constant 1 : i32
        %add3A_339 = arith.addi %select_n3A_337, %add3A_338 : i32
        %get3A_340 = arith.index_cast %add3A_339 : i32 to index
        %get3A_341 = tpu.vector_load %arg7[%get3A_340] {strides = array<i32>} : memref<344xi32, #tpu.memory_space<vmem>>, vector<16xi32>,
        %get3A_342 = vector.shape_cast %get3A_341 : vector<16xi32> to vector<16xi32>
        %slice3A_343 = vector.extract_strided_slice %get3A_342 {offsets = [0], sizes = [1], strides = [1]} : vector<16xi32> to vector<1xi32>
        %squeeze3A_344 = vector.extract %slice3A_343[0] : i32 from vector<1xi32>
        %select_n3A_345 = arith.select %and3A_323, %broadcast_in_dim3A_37, %parallel_loop3A_320#0 : vector<16xf32>
        %select_n3A_346 = arith.select %and3A_323, %broadcast_in_dim3A_37, %parallel_loop3A_320#1 : vector<16xf32>
        %select_n3A_347 = arith.select %and3A_323, %broadcast_in_dim3A_37, %parallel_loop3A_320#2 : vector<16xf32>
        %select_n3A_348 = arith.select %and3A_323, %broadcast_in_dim3A_37, %parallel_loop3A_320#3 : vector<16xf32>
        %select_n3A_349 = arith.select %and3A_323, %broadcast_in_dim3A_37, %parallel_loop3A_320#4 : vector<16xf32>
        %select_n3A_350 = arith.select %and3A_323, %broadcast_in_dim3A_37, %parallel_loop3A_320#5 : vector<16xf32>
        %select_n3A_351 = arith.select %and3A_323, %broadcast_in_dim3A_37, %parallel_loop3A_320#6 : vector<16xf32>
        %select_n3A_352 = arith.select %and3A_323, %broadcast_in_dim3A_37, %parallel_loop3A_320#7 : vector<16xf32>
        scf.yield %min3A_319, %select_n3A_337, %squeeze3A_344, %select_n3A_345, %select_n3A_346, %select_n3A_347, %select_n3A_348, %select_n3A_349, %select_n3A_350, %select_n3A_351, %select_n3A_352 : i32, i32, i32, vector<16xf32>, vector<16xf32>, vector<16xf32>, vector<16xf32>, vector<16xf32>, vector<16xf32>, vector<16xf32>, vector<16xf32>
      }
      %while3A_305 = arith.constant 1 : i32
      %while3A_306:11 = scf.for %while3A_307 = %while3A_302 to %while3A_298 step %while3A_305 iter_args(%while3A_308 = %while3A_304#0, %while3A_309 = %while3A_304#1, %while3A_310 = %while3A_304#2, %while3A_311 = %while3A_304#3, %while3A_312 = %while3A_304#4, %while3A_313 = %while3A_304#5, %while3A_314 = %while3A_304#6, %while3A_315 = %while3A_304#7, %while3A_316 = %while3A_304#8, %while3A_317 = %while3A_304#9, %while3A_318 = %while3A_304#10) -> (i32, i32, i32, vector<16xf32>, vector<16xf32>, vector<16xf32>, vector<16xf32>, vector<16xf32>, vector<16xf32>, vector<16xf32>, vector<16xf32>)  : i32 {
        %min3A_319 = arith.minsi %while3A_310, %min3A_290 : i32
        %parallel_loop3A = arith.constant 1 : i32
        %parallel_loop3A_320:8 = scf.for %parallel_loop3A_353 = %while3A_308 to %min3A_319 step %parallel_loop3A iter_args(%parallel_loop3A_354 = %while3A_311, %parallel_loop3A_355 = %while3A_312, %parallel_loop3A_356 = %while3A_313, %parallel_loop3A_357 = %while3A_314, %parallel_loop3A_358 = %while3A_315, %parallel_loop3A_359 = %while3A_316, %parallel_loop3A_360 = %while3A_317, %parallel_loop3A_361 = %while3A_318) -> (vector<16xf32>, vector<16xf32>, vector<16xf32>, vector<16xf32>, vector<16xf32>, vector<16xf32>, vector<16xf32>, vector<16xf32>)  : i32 {
          %parallel_loop3A_362 = arith.subi %parallel_loop3A_353, %sub3A_287 : i32
          %parallel_loop3A_363 = arith.index_cast %parallel_loop3A_362 : i32 to index
          %parallel_loop3A_364 = arith.constant 0 : index
          %parallel_loop3A_365 = tpu.vector_load %arg10[%parallel_loop3A_363, %parallel_loop3A_364] {strides = array<i32>} : memref<528x128xf32, #tpu.memory_space<vmem>>, vector<1x16xf32>,
          %parallel_loop3A_366 = vector.shape_cast %parallel_loop3A_365 : vector<1x16xf32> to vector<16xf32>
          %parallel_loop3A_367 = arith.addf %parallel_loop3A_354, %parallel_loop3A_366 : vector<16xf32>
          %parallel_loop3A_368 = arith.subi %parallel_loop3A_353, %sub3A_287 : i32
          %parallel_loop3A_369 = arith.index_cast %parallel_loop3A_368 : i32 to index
          %parallel_loop3A_370 = arith.constant 16 : index
          %parallel_loop3A_371 = tpu.vector_load %arg10[%parallel_loop3A_369, %parallel_loop3A_370] {strides = array<i32>} : memref<528x128xf32, #tpu.memory_space<vmem>>, vector<1x16xf32>,
          %parallel_loop3A_372 = vector.shape_cast %parallel_loop3A_371 : vector<1x16xf32> to vector<16xf32>
          %parallel_loop3A_373 = arith.addf %parallel_loop3A_355, %parallel_loop3A_372 : vector<16xf32>
          %parallel_loop3A_374 = arith.subi %parallel_loop3A_353, %sub3A_287 : i32
          %parallel_loop3A_375 = arith.index_cast %parallel_loop3A_374 : i32 to index
          %parallel_loop3A_376 = arith.constant 32 : index
          %parallel_loop3A_377 = tpu.vector_load %arg10[%parallel_loop3A_375, %parallel_loop3A_376] {strides = array<i32>} : memref<528x128xf32, #tpu.memory_space<vmem>>, vector<1x16xf32>,
          %parallel_loop3A_378 = vector.shape_cast %parallel_loop3A_377 : vector<1x16xf32> to vector<16xf32>
          %parallel_loop3A_379 = arith.addf %parallel_loop3A_356, %parallel_loop3A_378 : vector<16xf32>
          %parallel_loop3A_380 = arith.subi %parallel_loop3A_353, %sub3A_287 : i32
          %parallel_loop3A_381 = arith.index_cast %parallel_loop3A_380 : i32 to index
          %parallel_loop3A_382 = arith.constant 48 : index
          %parallel_loop3A_383 = tpu.vector_load %arg10[%parallel_loop3A_381, %parallel_loop3A_382] {strides = array<i32>} : memref<528x128xf32, #tpu.memory_space<vmem>>, vector<1x16xf32>,
          %parallel_loop3A_384 = vector.shape_cast %parallel_loop3A_383 : vector<1x16xf32> to vector<16xf32>
          %parallel_loop3A_385 = arith.addf %parallel_loop3A_357, %parallel_loop3A_384 : vector<16xf32>
          %parallel_loop3A_386 = arith.subi %parallel_loop3A_353, %sub3A_287 : i32
          %parallel_loop3A_387 = arith.index_cast %parallel_loop3A_386 : i32 to index
          %parallel_loop3A_388 = arith.constant 64 : index
          %parallel_loop3A_389 = tpu.vector_load %arg10[%parallel_loop3A_387, %parallel_loop3A_388] {strides = array<i32>} : memref<528x128xf32, #tpu.memory_space<vmem>>, vector<1x16xf32>,
          %parallel_loop3A_390 = vector.shape_cast %parallel_loop3A_389 : vector<1x16xf32> to vector<16xf32>
          %parallel_loop3A_391 = arith.addf %parallel_loop3A_358, %parallel_loop3A_390 : vector<16xf32>
          %parallel_loop3A_392 = arith.subi %parallel_loop3A_353, %sub3A_287 : i32
          %parallel_loop3A_393 = arith.index_cast %parallel_loop3A_392 : i32 to index
          %parallel_loop3A_394 = arith.constant 80 : index
          %parallel_loop3A_395 = tpu.vector_load %arg10[%parallel_loop3A_393, %parallel_loop3A_394] {strides = array<i32>} : memref<528x128xf32, #tpu.memory_space<vmem>>, vector<1x16xf32>,
          %parallel_loop3A_396 = vector.shape_cast %parallel_loop3A_395 : vector<1x16xf32> to vector<16xf32>
          %parallel_loop3A_397 = arith.addf %parallel_loop3A_359, %parallel_loop3A_396 : vector<16xf32>
          %parallel_loop3A_398 = arith.subi %parallel_loop3A_353, %sub3A_287 : i32
          %parallel_loop3A_399 = arith.index_cast %parallel_loop3A_398 : i32 to index
          %parallel_loop3A_400 = arith.constant 96 : index
          %parallel_loop3A_401 = tpu.vector_load %arg10[%parallel_loop3A_399, %parallel_loop3A_400] {strides = array<i32>} : memref<528x128xf32, #tpu.memory_space<vmem>>, vector<1x16xf32>,
          %parallel_loop3A_402 = vector.shape_cast %parallel_loop3A_401 : vector<1x16xf32> to vector<16xf32>
          %parallel_loop3A_403 = arith.addf %parallel_loop3A_360, %parallel_loop3A_402 : vector<16xf32>
          %parallel_loop3A_404 = arith.subi %parallel_loop3A_353, %sub3A_287 : i32
          %parallel_loop3A_405 = arith.index_cast %parallel_loop3A_404 : i32 to index
          %parallel_loop3A_406 = arith.constant 112 : index
          %parallel_loop3A_407 = tpu.vector_load %arg10[%parallel_loop3A_405, %parallel_loop3A_406] {strides = array<i32>} : memref<528x128xf32, #tpu.memory_space<vmem>>, vector<1x16xf32>,
          %parallel_loop3A_408 = vector.shape_cast %parallel_loop3A_407 : vector<1x16xf32> to vector<16xf32>
          %parallel_loop3A_409 = arith.addf %parallel_loop3A_361, %parallel_loop3A_408 : vector<16xf32>
          scf.yield %parallel_loop3A_367, %parallel_loop3A_373, %parallel_loop3A_379, %parallel_loop3A_385, %parallel_loop3A_391, %parallel_loop3A_397, %parallel_loop3A_403, %parallel_loop3A_409 : vector<16xf32>, vector<16xf32>, vector<16xf32>, vector<16xf32>, vector<16xf32>, vector<16xf32>, vector<16xf32>, vector<16xf32>
        } {sc.loop_unroll_factor = 4 : i64, sc.parallel_access}
        %eq3A_321 = arith.cmpi eq, %min3A_319, %while3A_310 : i32
        %lt3A_322 = arith.cmpi slt, %while3A_309, %max3A_5 : i32
        %and3A_323 = arith.andi %eq3A_321, %lt3A_322 : i1
        %convert_element_type3A = arith.extui %and3A_323 : i1 to i32
        %cond3A = arith.constant 0 : i32
        %cond3A_324 = arith.cmpi ne, %convert_element_type3A, %cond3A : i32
        scf.if %cond3A_324 {
          %swap3A = arith.index_cast %while3A_309 : i32 to index
          %swap3A_353 = arith.constant 0 : index
          %swap3A_354 = tpu.vector_load %arg11[%swap3A, %swap3A_353] {strides = array<i32>} : memref<320x128xf32, #tpu.memory_space<vmem>>, vector<1x16xf32>,
          %swap3A_355 = vector.shape_cast %swap3A_354 : vector<1x16xf32> to vector<16xf32>
          %swap3A_356 = vector.shape_cast %parallel_loop3A_320#0 : vector<16xf32> to vector<1x16xf32>
          tpu.vector_store %arg11[%swap3A, %swap3A_353], %swap3A_356 {strides = array<i32>} : memref<320x128xf32, #tpu.memory_space<vmem>>, vector<1x16xf32>,
          %swap3A_357 = arith.index_cast %while3A_309 : i32 to index
          %swap3A_358 = arith.constant 16 : index
          %swap3A_359 = tpu.vector_load %arg11[%swap3A_357, %swap3A_358] {strides = array<i32>} : memref<320x128xf32, #tpu.memory_space<vmem>>, vector<1x16xf32>,
          %swap3A_360 = vector.shape_cast %swap3A_359 : vector<1x16xf32> to vector<16xf32>
          %swap3A_361 = vector.shape_cast %parallel_loop3A_320#1 : vector<16xf32> to vector<1x16xf32>
          tpu.vector_store %arg11[%swap3A_357, %swap3A_358], %swap3A_361 {strides = array<i32>} : memref<320x128xf32, #tpu.memory_space<vmem>>, vector<1x16xf32>,
          %swap3A_362 = arith.index_cast %while3A_309 : i32 to index
          %swap3A_363 = arith.constant 32 : index
          %swap3A_364 = tpu.vector_load %arg11[%swap3A_362, %swap3A_363] {strides = array<i32>} : memref<320x128xf32, #tpu.memory_space<vmem>>, vector<1x16xf32>,
          %swap3A_365 = vector.shape_cast %swap3A_364 : vector<1x16xf32> to vector<16xf32>
          %swap3A_366 = vector.shape_cast %parallel_loop3A_320#2 : vector<16xf32> to vector<1x16xf32>
          tpu.vector_store %arg11[%swap3A_362, %swap3A_363], %swap3A_366 {strides = array<i32>} : memref<320x128xf32, #tpu.memory_space<vmem>>, vector<1x16xf32>,
          %swap3A_367 = arith.index_cast %while3A_309 : i32 to index
          %swap3A_368 = arith.constant 48 : index
          %swap3A_369 = tpu.vector_load %arg11[%swap3A_367, %swap3A_368] {strides = array<i32>} : memref<320x128xf32, #tpu.memory_space<vmem>>, vector<1x16xf32>,
          %swap3A_370 = vector.shape_cast %swap3A_369 : vector<1x16xf32> to vector<16xf32>
          %swap3A_371 = vector.shape_cast %parallel_loop3A_320#3 : vector<16xf32> to vector<1x16xf32>
          tpu.vector_store %arg11[%swap3A_367, %swap3A_368], %swap3A_371 {strides = array<i32>} : memref<320x128xf32, #tpu.memory_space<vmem>>, vector<1x16xf32>,
          %swap3A_372 = arith.index_cast %while3A_309 : i32 to index
          %swap3A_373 = arith.constant 64 : index
          %swap3A_374 = tpu.vector_load %arg11[%swap3A_372, %swap3A_373] {strides = array<i32>} : memref<320x128xf32, #tpu.memory_space<vmem>>, vector<1x16xf32>,
          %swap3A_375 = vector.shape_cast %swap3A_374 : vector<1x16xf32> to vector<16xf32>
          %swap3A_376 = vector.shape_cast %parallel_loop3A_320#4 : vector<16xf32> to vector<1x16xf32>
          tpu.vector_store %arg11[%swap3A_372, %swap3A_373], %swap3A_376 {strides = array<i32>} : memref<320x128xf32, #tpu.memory_space<vmem>>, vector<1x16xf32>,
          %swap3A_377 = arith.index_cast %while3A_309 : i32 to index
          %swap3A_378 = arith.constant 80 : index
          %swap3A_379 = tpu.vector_load %arg11[%swap3A_377, %swap3A_378] {strides = array<i32>} : memref<320x128xf32, #tpu.memory_space<vmem>>, vector<1x16xf32>,
          %swap3A_380 = vector.shape_cast %swap3A_379 : vector<1x16xf32> to vector<16xf32>
          %swap3A_381 = vector.shape_cast %parallel_loop3A_320#5 : vector<16xf32> to vector<1x16xf32>
          tpu.vector_store %arg11[%swap3A_377, %swap3A_378], %swap3A_381 {strides = array<i32>} : memref<320x128xf32, #tpu.memory_space<vmem>>, vector<1x16xf32>,
          %swap3A_382 = arith.index_cast %while3A_309 : i32 to index
          %swap3A_383 = arith.constant 96 : index
          %swap3A_384 = tpu.vector_load %arg11[%swap3A_382, %swap3A_383] {strides = array<i32>} : memref<320x128xf32, #tpu.memory_space<vmem>>, vector<1x16xf32>,
          %swap3A_385 = vector.shape_cast %swap3A_384 : vector<1x16xf32> to vector<16xf32>
          %swap3A_386 = vector.shape_cast %parallel_loop3A_320#6 : vector<16xf32> to vector<1x16xf32>
          tpu.vector_store %arg11[%swap3A_382, %swap3A_383], %swap3A_386 {strides = array<i32>} : memref<320x128xf32, #tpu.memory_space<vmem>>, vector<1x16xf32>,
          %swap3A_387 = arith.index_cast %while3A_309 : i32 to index
          %swap3A_388 = arith.constant 112 : index
          %swap3A_389 = tpu.vector_load %arg11[%swap3A_387, %swap3A_388] {strides = array<i32>} : memref<320x128xf32, #tpu.memory_space<vmem>>, vector<1x16xf32>,
          %swap3A_390 = vector.shape_cast %swap3A_389 : vector<1x16xf32> to vector<16xf32>
          %swap3A_391 = vector.shape_cast %parallel_loop3A_320#7 : vector<16xf32> to vector<1x16xf32>
          tpu.vector_store %arg11[%swap3A_387, %swap3A_388], %swap3A_391 {strides = array<i32>} : memref<320x128xf32, #tpu.memory_space<vmem>>, vector<1x16xf32>,
        } else {
        }
        %add3A_325 = arith.constant 1 : i32
        %add3A_326 = arith.addi %while3A_309, %add3A_325 : i32
        %get3A_327 = arith.index_cast %add3A_326 : i32 to index
        %get3A_328 = tpu.vector_load %arg8[%get3A_327] {strides = array<i32>} : memref<344xi32, #tpu.memory_space<vmem>>, vector<16xi32>,
        %get3A_329 = vector.shape_cast %get3A_328 : vector<16xi32> to vector<16xi32>
        %slice3A_330 = vector.extract_strided_slice %get3A_329 {offsets = [0], sizes = [1], strides = [1]} : vector<16xi32> to vector<1xi32>
        %squeeze3A_331 = vector.extract %slice3A_330[0] : i32 from vector<1xi32>
        %sub3A_332 = arith.subi %squeeze3A_331, %mul3A_2 : i32
        %jit3A_333 = arith.constant 0 : i32
        %jit3A_334 = arith.constant 327 : i32
        %max3A_335 = arith.maxsi %jit3A_333, %sub3A_332 : i32
        %min3A_336 = arith.minsi %jit3A_334, %max3A_335 : i32
        %select_n3A_337 = arith.select %and3A_323, %min3A_336, %while3A_309 : i32
        %add3A_338 = arith.constant 1 : i32
        %add3A_339 = arith.addi %select_n3A_337, %add3A_338 : i32
        %get3A_340 = arith.index_cast %add3A_339 : i32 to index
        %get3A_341 = tpu.vector_load %arg7[%get3A_340] {strides = array<i32>} : memref<344xi32, #tpu.memory_space<vmem>>, vector<16xi32>,
        %get3A_342 = vector.shape_cast %get3A_341 : vector<16xi32> to vector<16xi32>
        %slice3A_343 = vector.extract_strided_slice %get3A_342 {offsets = [0], sizes = [1], strides = [1]} : vector<16xi32> to vector<1xi32>
        %squeeze3A_344 = vector.extract %slice3A_343[0] : i32 from vector<1xi32>
        %select_n3A_345 = arith.select %and3A_323, %broadcast_in_dim3A_37, %parallel_loop3A_320#0 : vector<16xf32>
        %select_n3A_346 = arith.select %and3A_323, %broadcast_in_dim3A_37, %parallel_loop3A_320#1 : vector<16xf32>
        %select_n3A_347 = arith.select %and3A_323, %broadcast_in_dim3A_37, %parallel_loop3A_320#2 : vector<16xf32>
        %select_n3A_348 = arith.select %and3A_323, %broadcast_in_dim3A_37, %parallel_loop3A_320#3 : vector<16xf32>
        %select_n3A_349 = arith.select %and3A_323, %broadcast_in_dim3A_37, %parallel_loop3A_320#4 : vector<16xf32>
        %select_n3A_350 = arith.select %and3A_323, %broadcast_in_dim3A_37, %parallel_loop3A_320#5 : vector<16xf32>
        %select_n3A_351 = arith.select %and3A_323, %broadcast_in_dim3A_37, %parallel_loop3A_320#6 : vector<16xf32>
        %select_n3A_352 = arith.select %and3A_323, %broadcast_in_dim3A_37, %parallel_loop3A_320#7 : vector<16xf32>
        scf.yield %min3A_319, %select_n3A_337, %squeeze3A_344, %select_n3A_345, %select_n3A_346, %select_n3A_347, %select_n3A_348, %select_n3A_349, %select_n3A_350, %select_n3A_351, %select_n3A_352 : i32, i32, i32, vector<16xf32>, vector<16xf32>, vector<16xf32>, vector<16xf32>, vector<16xf32>, vector<16xf32>, vector<16xf32>, vector<16xf32>
      }
      scf.yield %while3A_306#0, %while3A_306#1, %while3A_306#2, %while3A_306#3, %while3A_306#4, %while3A_306#5, %while3A_306#6, %while3A_306#7, %while3A_306#8, %while3A_306#9, %while3A_306#10 : i32, i32, i32, vector<16xf32>, vector<16xf32>, vector<16xf32>, vector<16xf32>, vector<16xf32>, vector<16xf32>, vector<16xf32>, vector<16xf32>
    }
    %while3A_119 = arith.constant 1 : i32
    %while3A_120:11 = scf.for %while3A_132 = %while3A_116 to %while3A_112 step %while3A_119 iter_args(%while3A_133 = %while3A_118#0, %while3A_134 = %while3A_118#1, %while3A_135 = %while3A_118#2, %while3A_136 = %while3A_118#3, %while3A_137 = %while3A_118#4, %while3A_138 = %while3A_118#5, %while3A_139 = %while3A_118#6, %while3A_140 = %while3A_118#7, %while3A_141 = %while3A_118#8, %while3A_142 = %while3A_118#9, %while3A_143 = %while3A_118#10) -> (i32, i32, i32, vector<16xf32>, vector<16xf32>, vector<16xf32>, vector<16xf32>, vector<16xf32>, vector<16xf32>, vector<16xf32>, vector<16xf32>)  : i32 {
      %dma_wait3A_144 = arith.constant 0 : i32
      %dma_wait3A_145 = arith.constant 0 : i32
      %dma_wait3A_146 = tpu.memref_slice %arg10[%dma_wait3A_144, %dma_wait3A_145] : memref<528x128xf32, #tpu.memory_space<vmem>> -> memref<264x128xf32, #tpu.memory_space<vmem>>
      %dma_wait3A_147 = arith.constant 0 : i32
      %dma_wait3A_148 = arith.constant 0 : i32
      %dma_wait3A_149 = tpu.memref_slice %arg2[%dma_wait3A_147, %dma_wait3A_148] : memref<320000x128xf32, #tpu.memory_space<hbm>> -> memref<264x128xf32, #tpu.memory_space<hbm>>
      %dma_wait3A_150 = arith.constant 0 : i32
      %dma_wait3A_151 = arith.constant 0 : i32
      %dma_wait3A_152 = tpu.memref_slice %arg10[%dma_wait3A_150, %dma_wait3A_151] : memref<528x128xf32, #tpu.memory_space<vmem>> -> memref<264x128xf32, #tpu.memory_space<vmem>>
      %dma_wait3A_153 = arith.constant 0 : i32
      %dma_wait3A_154 = arith.constant 0 : i32
      %dma_wait3A_155 = tpu.memref_slice %arg2[%dma_wait3A_153, %dma_wait3A_154] : memref<320000x128xf32, #tpu.memory_space<hbm>> -> memref<264x128xf32, #tpu.memory_space<hbm>>
      tpu.wait_dma2 semaphore(%arg12 : memref<!tpu.dma_semaphore, #tpu.memory_space<semaphore_mem>>) src(%dma_wait3A_155 : memref<264x128xf32, #tpu.memory_space<hbm>>) dst(%dma_wait3A_152 : memref<264x128xf32, #tpu.memory_space<vmem>>)
      %add3A_156 = arith.constant 1 : i32
      %add3A_157 = arith.addi %while3A_132, %add3A_156 : i32
      %sub3A_158 = arith.constant 1 : i32
      %sub3A_159 = arith.subi %select_n3A, %sub3A_158 : i32
      %max3A_160 = arith.constant 0 : i32
      %max3A_161 = arith.maxsi %sub3A_159, %max3A_160 : i32
      %jit3A_162 = arith.constant 0 : i32
      %max3A_163 = arith.maxsi %jit3A_162, %add3A_157 : i32
      %min3A_164 = arith.minsi %max3A_161, %max3A_163 : i32
      %mul3A_165 = arith.constant 256 : i32
      %mul3A_166 = arith.muli %min3A_164, %mul3A_165 : i32
      %add3A_167 = arith.addi %squeeze3A, %mul3A_166 : i32
      %jit3A_168 = arith.constant 8 : i32
      %div3A_169 = arith.divsi %add3A_167, %jit3A_168 : i32
      %sign3A_170 = arith.constant 0 : i32
      %sign3A_171 = arith.cmpi sgt, %add3A_167, %sign3A_170 : i32
      %sign3A_172 = arith.extui %sign3A_171 : i1 to i32
      %sign3A_173 = arith.constant 0 : i32
      %sign3A_174 = arith.cmpi slt, %add3A_167, %sign3A_173 : i32
      %sign3A_175 = arith.extui %sign3A_174 : i1 to i32
      %sign3A_176 = arith.subi %sign3A_172, %sign3A_175 : i32
      %sign3A_177 = arith.constant 0 : i32
      %sign3A_178 = arith.cmpi sgt, %jit3A_168, %sign3A_177 : i32
      %sign3A_179 = arith.extui %sign3A_178 : i1 to i32
      %sign3A_180 = arith.constant 0 : i32
      %sign3A_181 = arith.cmpi slt, %jit3A_168, %sign3A_180 : i32
      %sign3A_182 = arith.extui %sign3A_181 : i1 to i32
      %sign3A_183 = arith.subi %sign3A_179, %sign3A_182 : i32
      %ne3A_184 = arith.cmpi ne, %sign3A_176, %sign3A_183 : i32
      %rem3A_185 = arith.remsi %add3A_167, %jit3A_168 : i32
      %ne3A_186 = arith.constant 0 : i32
      %ne3A_187 = arith.cmpi ne, %rem3A_185, %ne3A_186 : i32
      %and3A_188 = arith.andi %ne3A_184, %ne3A_187 : i1
      %sub3A_189 = arith.constant 1 : i32
      %sub3A_190 = arith.subi %div3A_169, %sub3A_189 : i32
      %select_n3A_191 = arith.select %and3A_188, %sub3A_190, %div3A_169 : i32
      %mul3A_192 = arith.constant 8 : i32
      %mul3A_193 = arith.muli %select_n3A_191, %mul3A_192 : i32
      %jit3A_194 = arith.constant 0 : i32
      %jit3A_195 = arith.constant 319736 : i32
      %max3A_196 = arith.maxsi %jit3A_194, %mul3A_193 : i32
      %min3A_197 = arith.minsi %jit3A_195, %max3A_196 : i32
      %multiple_of3A_198 = tpu.assume_multiple %min3A_197, 8 : i32
      %jit3A_199 = arith.constant 2 : i32
      %eq3A = arith.constant 0 : i32
      %eq3A_200 = arith.cmpi eq, %jit3A_199, %eq3A : i32
      %jit3A_201 = arith.constant 1 : i32
      %select_n3A_202 = arith.select %eq3A_200, %jit3A_201, %jit3A_199 : i32
      %rem3A_203 = arith.remsi %add3A_157, %select_n3A_202 : i32
      %ne3A_204 = arith.constant 0 : i32
      %ne3A_205 = arith.cmpi ne, %rem3A_203, %ne3A_204 : i32
      %lt3A = arith.constant 0 : i32
      %lt3A_206 = arith.cmpi slt, %rem3A_203, %lt3A : i32
      %lt3A_207 = arith.constant 0 : i32
      %lt3A_208 = arith.cmpi slt, %select_n3A_202, %lt3A_207 : i32
      %ne3A_209 = arith.xori %lt3A_206, %lt3A_208 : i1
      %and3A_210 = arith.andi %ne3A_209, %ne3A_205 : i1
      %add3A_211 = arith.addi %rem3A_203, %select_n3A_202 : i32
      %select_n3A_212 = arith.select %and3A_210, %add3A_211, %rem3A_203 : i32
      %mul3A_213 = arith.constant 264 : i32
      %mul3A_214 = arith.muli %select_n3A_212, %mul3A_213 : i32
      %multiple_of3A_215 = tpu.assume_multiple %mul3A_214, 8 : i32
      %dma_start3A_216 = arith.constant 0 : i32
      %dma_start3A_217 = tpu.memref_slice %arg10[%multiple_of3A_215, %dma_start3A_216] : memref<528x128xf32, #tpu.memory_space<vmem>> -> memref<264x128xf32, #tpu.memory_space<vmem>>
      %dma_start3A_218 = arith.constant 0 : i32
      %dma_start3A_219 = tpu.memref_slice %arg2[%multiple_of3A_198, %dma_start3A_218] : memref<320000x128xf32, #tpu.memory_space<hbm>> -> memref<264x128xf32, #tpu.memory_space<hbm>>
      %dma_start3A_220 = arith.constant 0 : i32
      %dma_start3A_221 = tpu.memref_slice %arg10[%multiple_of3A_215, %dma_start3A_220] : memref<528x128xf32, #tpu.memory_space<vmem>> -> memref<264x128xf32, #tpu.memory_space<vmem>>
      %dma_start3A_222 = arith.constant 0 : i32
      %dma_start3A_223 = tpu.memref_slice %arg2[%multiple_of3A_198, %dma_start3A_222] : memref<320000x128xf32, #tpu.memory_space<hbm>> -> memref<264x128xf32, #tpu.memory_space<hbm>>
      tpu.enqueue_dma source(%dma_start3A_223 : memref<264x128xf32, #tpu.memory_space<hbm>>) target(%dma_start3A_221 : memref<264x128xf32, #tpu.memory_space<vmem>>) target_semaphore(%arg12 : memref<!tpu.dma_semaphore, #tpu.memory_space<semaphore_mem>>)
      %mul3A_224 = arith.constant 256 : i32
      %mul3A_225 = arith.muli %while3A_132, %mul3A_224 : i32
      %add3A_226 = arith.addi %squeeze3A, %mul3A_225 : i32
      %sub3A_227 = arith.constant 1 : i32
      %sub3A_228 = arith.subi %select_n3A, %sub3A_227 : i32
      %max3A_229 = arith.constant 0 : i32
      %max3A_230 = arith.maxsi %sub3A_228, %max3A_229 : i32
      %jit3A_231 = arith.constant 0 : i32
      %max3A_232 = arith.maxsi %jit3A_231, %while3A_132 : i32
      %min3A_233 = arith.minsi %max3A_230, %max3A_232 : i32
      %mul3A_234 = arith.constant 256 : i32
      %mul3A_235 = arith.muli %min3A_233, %mul3A_234 : i32
      %add3A_236 = arith.addi %squeeze3A, %mul3A_235 : i32
      %jit3A_237 = arith.constant 8 : i32
      %div3A_238 = arith.divsi %add3A_236, %jit3A_237 : i32
      %sign3A_239 = arith.constant 0 : i32
      %sign3A_240 = arith.cmpi sgt, %add3A_236, %sign3A_239 : i32
      %sign3A_241 = arith.extui %sign3A_240 : i1 to i32
      %sign3A_242 = arith.constant 0 : i32
      %sign3A_243 = arith.cmpi slt, %add3A_236, %sign3A_242 : i32
      %sign3A_244 = arith.extui %sign3A_243 : i1 to i32
      %sign3A_245 = arith.subi %sign3A_241, %sign3A_244 : i32
      %sign3A_246 = arith.constant 0 : i32
      %sign3A_247 = arith.cmpi sgt, %jit3A_237, %sign3A_246 : i32
      %sign3A_248 = arith.extui %sign3A_247 : i1 to i32
      %sign3A_249 = arith.constant 0 : i32
      %sign3A_250 = arith.cmpi slt, %jit3A_237, %sign3A_249 : i32
      %sign3A_251 = arith.extui %sign3A_250 : i1 to i32
      %sign3A_252 = arith.subi %sign3A_248, %sign3A_251 : i32
      %ne3A_253 = arith.cmpi ne, %sign3A_245, %sign3A_252 : i32
      %rem3A_254 = arith.remsi %add3A_236, %jit3A_237 : i32
      %ne3A_255 = arith.constant 0 : i32
      %ne3A_256 = arith.cmpi ne, %rem3A_254, %ne3A_255 : i32
      %and3A_257 = arith.andi %ne3A_253, %ne3A_256 : i1
      %sub3A_258 = arith.constant 1 : i32
      %sub3A_259 = arith.subi %div3A_238, %sub3A_258 : i32
      %select_n3A_260 = arith.select %and3A_257, %sub3A_259, %div3A_238 : i32
      %mul3A_261 = arith.constant 8 : i32
      %mul3A_262 = arith.muli %select_n3A_260, %mul3A_261 : i32
      %jit3A_263 = arith.constant 0 : i32
      %jit3A_264 = arith.constant 319736 : i32
      %max3A_265 = arith.maxsi %jit3A_263, %mul3A_262 : i32
      %min3A_266 = arith.minsi %jit3A_264, %max3A_265 : i32
      %multiple_of3A_267 = tpu.assume_multiple %min3A_266, 8 : i32
      %jit3A_268 = arith.constant 2 : i32
      %eq3A_269 = arith.constant 0 : i32
      %eq3A_270 = arith.cmpi eq, %jit3A_268, %eq3A_269 : i32
      %jit3A_271 = arith.constant 1 : i32
      %select_n3A_272 = arith.select %eq3A_270, %jit3A_271, %jit3A_268 : i32
      %rem3A_273 = arith.remsi %while3A_132, %select_n3A_272 : i32
      %ne3A_274 = arith.constant 0 : i32
      %ne3A_275 = arith.cmpi ne, %rem3A_273, %ne3A_274 : i32
      %lt3A_276 = arith.constant 0 : i32
      %lt3A_277 = arith.cmpi slt, %rem3A_273, %lt3A_276 : i32
      %lt3A_278 = arith.constant 0 : i32
      %lt3A_279 = arith.cmpi slt, %select_n3A_272, %lt3A_278 : i32
      %ne3A_280 = arith.xori %lt3A_277, %lt3A_279 : i1
      %and3A_281 = arith.andi %ne3A_280, %ne3A_275 : i1
      %add3A_282 = arith.addi %rem3A_273, %select_n3A_272 : i32
      %select_n3A_283 = arith.select %and3A_281, %add3A_282, %rem3A_273 : i32
      %mul3A_284 = arith.constant 264 : i32
      %mul3A_285 = arith.muli %select_n3A_283, %mul3A_284 : i32
      %multiple_of3A_286 = tpu.assume_multiple %mul3A_285, 8 : i32
      %sub3A_287 = arith.subi %multiple_of3A_267, %multiple_of3A_286 : i32
      %add3A_288 = arith.constant 256 : i32
      %add3A_289 = arith.addi %add3A_226, %add3A_288 : i32
      %min3A_290 = arith.minsi %add3A_289, %squeeze3A_14 : i32
      %get3A_291 = arith.index_cast %while3A_132 : i32 to index
      %get3A_292 = tpu.vector_load %arg9[%get3A_291] {strides = array<i32>} : memref<1272xi32, #tpu.memory_space<vmem>>, vector<16xi32>,
      %get3A_293 = vector.shape_cast %get3A_292 : vector<16xi32> to vector<16xi32>
      %slice3A_294 = vector.extract_strided_slice %get3A_293 {offsets = [0], sizes = [1], strides = [1]} : vector<16xi32> to vector<1xi32>
      %squeeze3A_295 = vector.extract %slice3A_294[0] : i32 from vector<1xi32>
      %while3A_296 = arith.constant 0 : i32
      %while3A_297 = arith.subi %squeeze3A_295, %while3A_296 : i32
      %while3A_298 = arith.addi %while3A_296, %while3A_297 : i32
      %while3A_299 = arith.constant 1 : i32
      %while3A_300 = arith.divsi %while3A_297, %while3A_299 : i32
      %while3A_301 = arith.muli %while3A_300, %while3A_299 : i32
      %while3A_302 = arith.addi %while3A_296, %while3A_301 : i32
      %while3A_303 = arith.constant 1 : i32
      %while3A_304:11 = scf.for %while3A_307 = %while3A_296 to %while3A_302 step %while3A_303 iter_args(%while3A_308 = %while3A_133, %while3A_309 = %while3A_134, %while3A_310 = %while3A_135, %while3A_311 = %while3A_136, %while3A_312 = %while3A_137, %while3A_313 = %while3A_138, %while3A_314 = %while3A_139, %while3A_315 = %while3A_140, %while3A_316 = %while3A_141, %while3A_317 = %while3A_142, %while3A_318 = %while3A_143) -> (i32, i32, i32, vector<16xf32>, vector<16xf32>, vector<16xf32>, vector<16xf32>, vector<16xf32>, vector<16xf32>, vector<16xf32>, vector<16xf32>)  : i32 {
        %min3A_319 = arith.minsi %while3A_310, %min3A_290 : i32
        %parallel_loop3A = arith.constant 1 : i32
        %parallel_loop3A_320:8 = scf.for %parallel_loop3A_353 = %while3A_308 to %min3A_319 step %parallel_loop3A iter_args(%parallel_loop3A_354 = %while3A_311, %parallel_loop3A_355 = %while3A_312, %parallel_loop3A_356 = %while3A_313, %parallel_loop3A_357 = %while3A_314, %parallel_loop3A_358 = %while3A_315, %parallel_loop3A_359 = %while3A_316, %parallel_loop3A_360 = %while3A_317, %parallel_loop3A_361 = %while3A_318) -> (vector<16xf32>, vector<16xf32>, vector<16xf32>, vector<16xf32>, vector<16xf32>, vector<16xf32>, vector<16xf32>, vector<16xf32>)  : i32 {
          %parallel_loop3A_362 = arith.subi %parallel_loop3A_353, %sub3A_287 : i32
          %parallel_loop3A_363 = arith.index_cast %parallel_loop3A_362 : i32 to index
          %parallel_loop3A_364 = arith.constant 0 : index
          %parallel_loop3A_365 = tpu.vector_load %arg10[%parallel_loop3A_363, %parallel_loop3A_364] {strides = array<i32>} : memref<528x128xf32, #tpu.memory_space<vmem>>, vector<1x16xf32>,
          %parallel_loop3A_366 = vector.shape_cast %parallel_loop3A_365 : vector<1x16xf32> to vector<16xf32>
          %parallel_loop3A_367 = arith.addf %parallel_loop3A_354, %parallel_loop3A_366 : vector<16xf32>
          %parallel_loop3A_368 = arith.subi %parallel_loop3A_353, %sub3A_287 : i32
          %parallel_loop3A_369 = arith.index_cast %parallel_loop3A_368 : i32 to index
          %parallel_loop3A_370 = arith.constant 16 : index
          %parallel_loop3A_371 = tpu.vector_load %arg10[%parallel_loop3A_369, %parallel_loop3A_370] {strides = array<i32>} : memref<528x128xf32, #tpu.memory_space<vmem>>, vector<1x16xf32>,
          %parallel_loop3A_372 = vector.shape_cast %parallel_loop3A_371 : vector<1x16xf32> to vector<16xf32>
          %parallel_loop3A_373 = arith.addf %parallel_loop3A_355, %parallel_loop3A_372 : vector<16xf32>
          %parallel_loop3A_374 = arith.subi %parallel_loop3A_353, %sub3A_287 : i32
          %parallel_loop3A_375 = arith.index_cast %parallel_loop3A_374 : i32 to index
          %parallel_loop3A_376 = arith.constant 32 : index
          %parallel_loop3A_377 = tpu.vector_load %arg10[%parallel_loop3A_375, %parallel_loop3A_376] {strides = array<i32>} : memref<528x128xf32, #tpu.memory_space<vmem>>, vector<1x16xf32>,
          %parallel_loop3A_378 = vector.shape_cast %parallel_loop3A_377 : vector<1x16xf32> to vector<16xf32>
          %parallel_loop3A_379 = arith.addf %parallel_loop3A_356, %parallel_loop3A_378 : vector<16xf32>
          %parallel_loop3A_380 = arith.subi %parallel_loop3A_353, %sub3A_287 : i32
          %parallel_loop3A_381 = arith.index_cast %parallel_loop3A_380 : i32 to index
          %parallel_loop3A_382 = arith.constant 48 : index
          %parallel_loop3A_383 = tpu.vector_load %arg10[%parallel_loop3A_381, %parallel_loop3A_382] {strides = array<i32>} : memref<528x128xf32, #tpu.memory_space<vmem>>, vector<1x16xf32>,
          %parallel_loop3A_384 = vector.shape_cast %parallel_loop3A_383 : vector<1x16xf32> to vector<16xf32>
          %parallel_loop3A_385 = arith.addf %parallel_loop3A_357, %parallel_loop3A_384 : vector<16xf32>
          %parallel_loop3A_386 = arith.subi %parallel_loop3A_353, %sub3A_287 : i32
          %parallel_loop3A_387 = arith.index_cast %parallel_loop3A_386 : i32 to index
          %parallel_loop3A_388 = arith.constant 64 : index
          %parallel_loop3A_389 = tpu.vector_load %arg10[%parallel_loop3A_387, %parallel_loop3A_388] {strides = array<i32>} : memref<528x128xf32, #tpu.memory_space<vmem>>, vector<1x16xf32>,
          %parallel_loop3A_390 = vector.shape_cast %parallel_loop3A_389 : vector<1x16xf32> to vector<16xf32>
          %parallel_loop3A_391 = arith.addf %parallel_loop3A_358, %parallel_loop3A_390 : vector<16xf32>
          %parallel_loop3A_392 = arith.subi %parallel_loop3A_353, %sub3A_287 : i32
          %parallel_loop3A_393 = arith.index_cast %parallel_loop3A_392 : i32 to index
          %parallel_loop3A_394 = arith.constant 80 : index
          %parallel_loop3A_395 = tpu.vector_load %arg10[%parallel_loop3A_393, %parallel_loop3A_394] {strides = array<i32>} : memref<528x128xf32, #tpu.memory_space<vmem>>, vector<1x16xf32>,
          %parallel_loop3A_396 = vector.shape_cast %parallel_loop3A_395 : vector<1x16xf32> to vector<16xf32>
          %parallel_loop3A_397 = arith.addf %parallel_loop3A_359, %parallel_loop3A_396 : vector<16xf32>
          %parallel_loop3A_398 = arith.subi %parallel_loop3A_353, %sub3A_287 : i32
          %parallel_loop3A_399 = arith.index_cast %parallel_loop3A_398 : i32 to index
          %parallel_loop3A_400 = arith.constant 96 : index
          %parallel_loop3A_401 = tpu.vector_load %arg10[%parallel_loop3A_399, %parallel_loop3A_400] {strides = array<i32>} : memref<528x128xf32, #tpu.memory_space<vmem>>, vector<1x16xf32>,
          %parallel_loop3A_402 = vector.shape_cast %parallel_loop3A_401 : vector<1x16xf32> to vector<16xf32>
          %parallel_loop3A_403 = arith.addf %parallel_loop3A_360, %parallel_loop3A_402 : vector<16xf32>
          %parallel_loop3A_404 = arith.subi %parallel_loop3A_353, %sub3A_287 : i32
          %parallel_loop3A_405 = arith.index_cast %parallel_loop3A_404 : i32 to index
          %parallel_loop3A_406 = arith.constant 112 : index
          %parallel_loop3A_407 = tpu.vector_load %arg10[%parallel_loop3A_405, %parallel_loop3A_406] {strides = array<i32>} : memref<528x128xf32, #tpu.memory_space<vmem>>, vector<1x16xf32>,
          %parallel_loop3A_408 = vector.shape_cast %parallel_loop3A_407 : vector<1x16xf32> to vector<16xf32>
          %parallel_loop3A_409 = arith.addf %parallel_loop3A_361, %parallel_loop3A_408 : vector<16xf32>
          scf.yield %parallel_loop3A_367, %parallel_loop3A_373, %parallel_loop3A_379, %parallel_loop3A_385, %parallel_loop3A_391, %parallel_loop3A_397, %parallel_loop3A_403, %parallel_loop3A_409 : vector<16xf32>, vector<16xf32>, vector<16xf32>, vector<16xf32>, vector<16xf32>, vector<16xf32>, vector<16xf32>, vector<16xf32>
        } {sc.loop_unroll_factor = 4 : i64, sc.parallel_access}
        %eq3A_321 = arith.cmpi eq, %min3A_319, %while3A_310 : i32
        %lt3A_322 = arith.cmpi slt, %while3A_309, %max3A_5 : i32
        %and3A_323 = arith.andi %eq3A_321, %lt3A_322 : i1
        %convert_element_type3A = arith.extui %and3A_323 : i1 to i32
        %cond3A = arith.constant 0 : i32
        %cond3A_324 = arith.cmpi ne, %convert_element_type3A, %cond3A : i32
        scf.if %cond3A_324 {
          %swap3A = arith.index_cast %while3A_309 : i32 to index
          %swap3A_353 = arith.constant 0 : index
          %swap3A_354 = tpu.vector_load %arg11[%swap3A, %swap3A_353] {strides = array<i32>} : memref<320x128xf32, #tpu.memory_space<vmem>>, vector<1x16xf32>,
          %swap3A_355 = vector.shape_cast %swap3A_354 : vector<1x16xf32> to vector<16xf32>
          %swap3A_356 = vector.shape_cast %parallel_loop3A_320#0 : vector<16xf32> to vector<1x16xf32>
          tpu.vector_store %arg11[%swap3A, %swap3A_353], %swap3A_356 {strides = array<i32>} : memref<320x128xf32, #tpu.memory_space<vmem>>, vector<1x16xf32>,
          %swap3A_357 = arith.index_cast %while3A_309 : i32 to index
          %swap3A_358 = arith.constant 16 : index
          %swap3A_359 = tpu.vector_load %arg11[%swap3A_357, %swap3A_358] {strides = array<i32>} : memref<320x128xf32, #tpu.memory_space<vmem>>, vector<1x16xf32>,
          %swap3A_360 = vector.shape_cast %swap3A_359 : vector<1x16xf32> to vector<16xf32>
          %swap3A_361 = vector.shape_cast %parallel_loop3A_320#1 : vector<16xf32> to vector<1x16xf32>
          tpu.vector_store %arg11[%swap3A_357, %swap3A_358], %swap3A_361 {strides = array<i32>} : memref<320x128xf32, #tpu.memory_space<vmem>>, vector<1x16xf32>,
          %swap3A_362 = arith.index_cast %while3A_309 : i32 to index
          %swap3A_363 = arith.constant 32 : index
          %swap3A_364 = tpu.vector_load %arg11[%swap3A_362, %swap3A_363] {strides = array<i32>} : memref<320x128xf32, #tpu.memory_space<vmem>>, vector<1x16xf32>,
          %swap3A_365 = vector.shape_cast %swap3A_364 : vector<1x16xf32> to vector<16xf32>
          %swap3A_366 = vector.shape_cast %parallel_loop3A_320#2 : vector<16xf32> to vector<1x16xf32>
          tpu.vector_store %arg11[%swap3A_362, %swap3A_363], %swap3A_366 {strides = array<i32>} : memref<320x128xf32, #tpu.memory_space<vmem>>, vector<1x16xf32>,
          %swap3A_367 = arith.index_cast %while3A_309 : i32 to index
          %swap3A_368 = arith.constant 48 : index
          %swap3A_369 = tpu.vector_load %arg11[%swap3A_367, %swap3A_368] {strides = array<i32>} : memref<320x128xf32, #tpu.memory_space<vmem>>, vector<1x16xf32>,
          %swap3A_370 = vector.shape_cast %swap3A_369 : vector<1x16xf32> to vector<16xf32>
          %swap3A_371 = vector.shape_cast %parallel_loop3A_320#3 : vector<16xf32> to vector<1x16xf32>
          tpu.vector_store %arg11[%swap3A_367, %swap3A_368], %swap3A_371 {strides = array<i32>} : memref<320x128xf32, #tpu.memory_space<vmem>>, vector<1x16xf32>,
          %swap3A_372 = arith.index_cast %while3A_309 : i32 to index
          %swap3A_373 = arith.constant 64 : index
          %swap3A_374 = tpu.vector_load %arg11[%swap3A_372, %swap3A_373] {strides = array<i32>} : memref<320x128xf32, #tpu.memory_space<vmem>>, vector<1x16xf32>,
          %swap3A_375 = vector.shape_cast %swap3A_374 : vector<1x16xf32> to vector<16xf32>
          %swap3A_376 = vector.shape_cast %parallel_loop3A_320#4 : vector<16xf32> to vector<1x16xf32>
          tpu.vector_store %arg11[%swap3A_372, %swap3A_373], %swap3A_376 {strides = array<i32>} : memref<320x128xf32, #tpu.memory_space<vmem>>, vector<1x16xf32>,
          %swap3A_377 = arith.index_cast %while3A_309 : i32 to index
          %swap3A_378 = arith.constant 80 : index
          %swap3A_379 = tpu.vector_load %arg11[%swap3A_377, %swap3A_378] {strides = array<i32>} : memref<320x128xf32, #tpu.memory_space<vmem>>, vector<1x16xf32>,
          %swap3A_380 = vector.shape_cast %swap3A_379 : vector<1x16xf32> to vector<16xf32>
          %swap3A_381 = vector.shape_cast %parallel_loop3A_320#5 : vector<16xf32> to vector<1x16xf32>
          tpu.vector_store %arg11[%swap3A_377, %swap3A_378], %swap3A_381 {strides = array<i32>} : memref<320x128xf32, #tpu.memory_space<vmem>>, vector<1x16xf32>,
          %swap3A_382 = arith.index_cast %while3A_309 : i32 to index
          %swap3A_383 = arith.constant 96 : index
          %swap3A_384 = tpu.vector_load %arg11[%swap3A_382, %swap3A_383] {strides = array<i32>} : memref<320x128xf32, #tpu.memory_space<vmem>>, vector<1x16xf32>,
          %swap3A_385 = vector.shape_cast %swap3A_384 : vector<1x16xf32> to vector<16xf32>
          %swap3A_386 = vector.shape_cast %parallel_loop3A_320#6 : vector<16xf32> to vector<1x16xf32>
          tpu.vector_store %arg11[%swap3A_382, %swap3A_383], %swap3A_386 {strides = array<i32>} : memref<320x128xf32, #tpu.memory_space<vmem>>, vector<1x16xf32>,
          %swap3A_387 = arith.index_cast %while3A_309 : i32 to index
          %swap3A_388 = arith.constant 112 : index
          %swap3A_389 = tpu.vector_load %arg11[%swap3A_387, %swap3A_388] {strides = array<i32>} : memref<320x128xf32, #tpu.memory_space<vmem>>, vector<1x16xf32>,
          %swap3A_390 = vector.shape_cast %swap3A_389 : vector<1x16xf32> to vector<16xf32>
          %swap3A_391 = vector.shape_cast %parallel_loop3A_320#7 : vector<16xf32> to vector<1x16xf32>
          tpu.vector_store %arg11[%swap3A_387, %swap3A_388], %swap3A_391 {strides = array<i32>} : memref<320x128xf32, #tpu.memory_space<vmem>>, vector<1x16xf32>,
        } else {
        }
        %add3A_325 = arith.constant 1 : i32
        %add3A_326 = arith.addi %while3A_309, %add3A_325 : i32
        %get3A_327 = arith.index_cast %add3A_326 : i32 to index
        %get3A_328 = tpu.vector_load %arg8[%get3A_327] {strides = array<i32>} : memref<344xi32, #tpu.memory_space<vmem>>, vector<16xi32>,
        %get3A_329 = vector.shape_cast %get3A_328 : vector<16xi32> to vector<16xi32>
        %slice3A_330 = vector.extract_strided_slice %get3A_329 {offsets = [0], sizes = [1], strides = [1]} : vector<16xi32> to vector<1xi32>
        %squeeze3A_331 = vector.extract %slice3A_330[0] : i32 from vector<1xi32>
        %sub3A_332 = arith.subi %squeeze3A_331, %mul3A_2 : i32
        %jit3A_333 = arith.constant 0 : i32
        %jit3A_334 = arith.constant 327 : i32
        %max3A_335 = arith.maxsi %jit3A_333, %sub3A_332 : i32
        %min3A_336 = arith.minsi %jit3A_334, %max3A_335 : i32
        %select_n3A_337 = arith.select %and3A_323, %min3A_336, %while3A_309 : i32
        %add3A_338 = arith.constant 1 : i32
        %add3A_339 = arith.addi %select_n3A_337, %add3A_338 : i32
        %get3A_340 = arith.index_cast %add3A_339 : i32 to index
        %get3A_341 = tpu.vector_load %arg7[%get3A_340] {strides = array<i32>} : memref<344xi32, #tpu.memory_space<vmem>>, vector<16xi32>,
        %get3A_342 = vector.shape_cast %get3A_341 : vector<16xi32> to vector<16xi32>
        %slice3A_343 = vector.extract_strided_slice %get3A_342 {offsets = [0], sizes = [1], strides = [1]} : vector<16xi32> to vector<1xi32>
        %squeeze3A_344 = vector.extract %slice3A_343[0] : i32 from vector<1xi32>
        %select_n3A_345 = arith.select %and3A_323, %broadcast_in_dim3A_37, %parallel_loop3A_320#0 : vector<16xf32>
        %select_n3A_346 = arith.select %and3A_323, %broadcast_in_dim3A_37, %parallel_loop3A_320#1 : vector<16xf32>
        %select_n3A_347 = arith.select %and3A_323, %broadcast_in_dim3A_37, %parallel_loop3A_320#2 : vector<16xf32>
        %select_n3A_348 = arith.select %and3A_323, %broadcast_in_dim3A_37, %parallel_loop3A_320#3 : vector<16xf32>
        %select_n3A_349 = arith.select %and3A_323, %broadcast_in_dim3A_37, %parallel_loop3A_320#4 : vector<16xf32>
        %select_n3A_350 = arith.select %and3A_323, %broadcast_in_dim3A_37, %parallel_loop3A_320#5 : vector<16xf32>
        %select_n3A_351 = arith.select %and3A_323, %broadcast_in_dim3A_37, %parallel_loop3A_320#6 : vector<16xf32>
        %select_n3A_352 = arith.select %and3A_323, %broadcast_in_dim3A_37, %parallel_loop3A_320#7 : vector<16xf32>
        scf.yield %min3A_319, %select_n3A_337, %squeeze3A_344, %select_n3A_345, %select_n3A_346, %select_n3A_347, %select_n3A_348, %select_n3A_349, %select_n3A_350, %select_n3A_351, %select_n3A_352 : i32, i32, i32, vector<16xf32>, vector<16xf32>, vector<16xf32>, vector<16xf32>, vector<16xf32>, vector<16xf32>, vector<16xf32>, vector<16xf32>
      }
      %while3A_305 = arith.constant 1 : i32
      %while3A_306:11 = scf.for %while3A_307 = %while3A_302 to %while3A_298 step %while3A_305 iter_args(%while3A_308 = %while3A_304#0, %while3A_309 = %while3A_304#1, %while3A_310 = %while3A_304#2, %while3A_311 = %while3A_304#3, %while3A_312 = %while3A_304#4, %while3A_313 = %while3A_304#5, %while3A_314 = %while3A_304#6, %while3A_315 = %while3A_304#7, %while3A_316 = %while3A_304#8, %while3A_317 = %while3A_304#9, %while3A_318 = %while3A_304#10) -> (i32, i32, i32, vector<16xf32>, vector<16xf32>, vector<16xf32>, vector<16xf32>, vector<16xf32>, vector<16xf32>, vector<16xf32>, vector<16xf32>)  : i32 {
        %min3A_319 = arith.minsi %while3A_310, %min3A_290 : i32
        %parallel_loop3A = arith.constant 1 : i32
        %parallel_loop3A_320:8 = scf.for %parallel_loop3A_353 = %while3A_308 to %min3A_319 step %parallel_loop3A iter_args(%parallel_loop3A_354 = %while3A_311, %parallel_loop3A_355 = %while3A_312, %parallel_loop3A_356 = %while3A_313, %parallel_loop3A_357 = %while3A_314, %parallel_loop3A_358 = %while3A_315, %parallel_loop3A_359 = %while3A_316, %parallel_loop3A_360 = %while3A_317, %parallel_loop3A_361 = %while3A_318) -> (vector<16xf32>, vector<16xf32>, vector<16xf32>, vector<16xf32>, vector<16xf32>, vector<16xf32>, vector<16xf32>, vector<16xf32>)  : i32 {
          %parallel_loop3A_362 = arith.subi %parallel_loop3A_353, %sub3A_287 : i32
          %parallel_loop3A_363 = arith.index_cast %parallel_loop3A_362 : i32 to index
          %parallel_loop3A_364 = arith.constant 0 : index
          %parallel_loop3A_365 = tpu.vector_load %arg10[%parallel_loop3A_363, %parallel_loop3A_364] {strides = array<i32>} : memref<528x128xf32, #tpu.memory_space<vmem>>, vector<1x16xf32>,
          %parallel_loop3A_366 = vector.shape_cast %parallel_loop3A_365 : vector<1x16xf32> to vector<16xf32>
          %parallel_loop3A_367 = arith.addf %parallel_loop3A_354, %parallel_loop3A_366 : vector<16xf32>
          %parallel_loop3A_368 = arith.subi %parallel_loop3A_353, %sub3A_287 : i32
          %parallel_loop3A_369 = arith.index_cast %parallel_loop3A_368 : i32 to index
          %parallel_loop3A_370 = arith.constant 16 : index
          %parallel_loop3A_371 = tpu.vector_load %arg10[%parallel_loop3A_369, %parallel_loop3A_370] {strides = array<i32>} : memref<528x128xf32, #tpu.memory_space<vmem>>, vector<1x16xf32>,
          %parallel_loop3A_372 = vector.shape_cast %parallel_loop3A_371 : vector<1x16xf32> to vector<16xf32>
          %parallel_loop3A_373 = arith.addf %parallel_loop3A_355, %parallel_loop3A_372 : vector<16xf32>
          %parallel_loop3A_374 = arith.subi %parallel_loop3A_353, %sub3A_287 : i32
          %parallel_loop3A_375 = arith.index_cast %parallel_loop3A_374 : i32 to index
          %parallel_loop3A_376 = arith.constant 32 : index
          %parallel_loop3A_377 = tpu.vector_load %arg10[%parallel_loop3A_375, %parallel_loop3A_376] {strides = array<i32>} : memref<528x128xf32, #tpu.memory_space<vmem>>, vector<1x16xf32>,
          %parallel_loop3A_378 = vector.shape_cast %parallel_loop3A_377 : vector<1x16xf32> to vector<16xf32>
          %parallel_loop3A_379 = arith.addf %parallel_loop3A_356, %parallel_loop3A_378 : vector<16xf32>
          %parallel_loop3A_380 = arith.subi %parallel_loop3A_353, %sub3A_287 : i32
          %parallel_loop3A_381 = arith.index_cast %parallel_loop3A_380 : i32 to index
          %parallel_loop3A_382 = arith.constant 48 : index
          %parallel_loop3A_383 = tpu.vector_load %arg10[%parallel_loop3A_381, %parallel_loop3A_382] {strides = array<i32>} : memref<528x128xf32, #tpu.memory_space<vmem>>, vector<1x16xf32>,
          %parallel_loop3A_384 = vector.shape_cast %parallel_loop3A_383 : vector<1x16xf32> to vector<16xf32>
          %parallel_loop3A_385 = arith.addf %parallel_loop3A_357, %parallel_loop3A_384 : vector<16xf32>
          %parallel_loop3A_386 = arith.subi %parallel_loop3A_353, %sub3A_287 : i32
          %parallel_loop3A_387 = arith.index_cast %parallel_loop3A_386 : i32 to index
          %parallel_loop3A_388 = arith.constant 64 : index
          %parallel_loop3A_389 = tpu.vector_load %arg10[%parallel_loop3A_387, %parallel_loop3A_388] {strides = array<i32>} : memref<528x128xf32, #tpu.memory_space<vmem>>, vector<1x16xf32>,
          %parallel_loop3A_390 = vector.shape_cast %parallel_loop3A_389 : vector<1x16xf32> to vector<16xf32>
          %parallel_loop3A_391 = arith.addf %parallel_loop3A_358, %parallel_loop3A_390 : vector<16xf32>
          %parallel_loop3A_392 = arith.subi %parallel_loop3A_353, %sub3A_287 : i32
          %parallel_loop3A_393 = arith.index_cast %parallel_loop3A_392 : i32 to index
          %parallel_loop3A_394 = arith.constant 80 : index
          %parallel_loop3A_395 = tpu.vector_load %arg10[%parallel_loop3A_393, %parallel_loop3A_394] {strides = array<i32>} : memref<528x128xf32, #tpu.memory_space<vmem>>, vector<1x16xf32>,
          %parallel_loop3A_396 = vector.shape_cast %parallel_loop3A_395 : vector<1x16xf32> to vector<16xf32>
          %parallel_loop3A_397 = arith.addf %parallel_loop3A_359, %parallel_loop3A_396 : vector<16xf32>
          %parallel_loop3A_398 = arith.subi %parallel_loop3A_353, %sub3A_287 : i32
          %parallel_loop3A_399 = arith.index_cast %parallel_loop3A_398 : i32 to index
          %parallel_loop3A_400 = arith.constant 96 : index
          %parallel_loop3A_401 = tpu.vector_load %arg10[%parallel_loop3A_399, %parallel_loop3A_400] {strides = array<i32>} : memref<528x128xf32, #tpu.memory_space<vmem>>, vector<1x16xf32>,
          %parallel_loop3A_402 = vector.shape_cast %parallel_loop3A_401 : vector<1x16xf32> to vector<16xf32>
          %parallel_loop3A_403 = arith.addf %parallel_loop3A_360, %parallel_loop3A_402 : vector<16xf32>
          %parallel_loop3A_404 = arith.subi %parallel_loop3A_353, %sub3A_287 : i32
          %parallel_loop3A_405 = arith.index_cast %parallel_loop3A_404 : i32 to index
          %parallel_loop3A_406 = arith.constant 112 : index
          %parallel_loop3A_407 = tpu.vector_load %arg10[%parallel_loop3A_405, %parallel_loop3A_406] {strides = array<i32>} : memref<528x128xf32, #tpu.memory_space<vmem>>, vector<1x16xf32>,
          %parallel_loop3A_408 = vector.shape_cast %parallel_loop3A_407 : vector<1x16xf32> to vector<16xf32>
          %parallel_loop3A_409 = arith.addf %parallel_loop3A_361, %parallel_loop3A_408 : vector<16xf32>
          scf.yield %parallel_loop3A_367, %parallel_loop3A_373, %parallel_loop3A_379, %parallel_loop3A_385, %parallel_loop3A_391, %parallel_loop3A_397, %parallel_loop3A_403, %parallel_loop3A_409 : vector<16xf32>, vector<16xf32>, vector<16xf32>, vector<16xf32>, vector<16xf32>, vector<16xf32>, vector<16xf32>, vector<16xf32>
        } {sc.loop_unroll_factor = 4 : i64, sc.parallel_access}
        %eq3A_321 = arith.cmpi eq, %min3A_319, %while3A_310 : i32
        %lt3A_322 = arith.cmpi slt, %while3A_309, %max3A_5 : i32
        %and3A_323 = arith.andi %eq3A_321, %lt3A_322 : i1
        %convert_element_type3A = arith.extui %and3A_323 : i1 to i32
        %cond3A = arith.constant 0 : i32
        %cond3A_324 = arith.cmpi ne, %convert_element_type3A, %cond3A : i32
        scf.if %cond3A_324 {
          %swap3A = arith.index_cast %while3A_309 : i32 to index
          %swap3A_353 = arith.constant 0 : index
          %swap3A_354 = tpu.vector_load %arg11[%swap3A, %swap3A_353] {strides = array<i32>} : memref<320x128xf32, #tpu.memory_space<vmem>>, vector<1x16xf32>,
          %swap3A_355 = vector.shape_cast %swap3A_354 : vector<1x16xf32> to vector<16xf32>
          %swap3A_356 = vector.shape_cast %parallel_loop3A_320#0 : vector<16xf32> to vector<1x16xf32>
          tpu.vector_store %arg11[%swap3A, %swap3A_353], %swap3A_356 {strides = array<i32>} : memref<320x128xf32, #tpu.memory_space<vmem>>, vector<1x16xf32>,
          %swap3A_357 = arith.index_cast %while3A_309 : i32 to index
          %swap3A_358 = arith.constant 16 : index
          %swap3A_359 = tpu.vector_load %arg11[%swap3A_357, %swap3A_358] {strides = array<i32>} : memref<320x128xf32, #tpu.memory_space<vmem>>, vector<1x16xf32>,
          %swap3A_360 = vector.shape_cast %swap3A_359 : vector<1x16xf32> to vector<16xf32>
          %swap3A_361 = vector.shape_cast %parallel_loop3A_320#1 : vector<16xf32> to vector<1x16xf32>
          tpu.vector_store %arg11[%swap3A_357, %swap3A_358], %swap3A_361 {strides = array<i32>} : memref<320x128xf32, #tpu.memory_space<vmem>>, vector<1x16xf32>,
          %swap3A_362 = arith.index_cast %while3A_309 : i32 to index
          %swap3A_363 = arith.constant 32 : index
          %swap3A_364 = tpu.vector_load %arg11[%swap3A_362, %swap3A_363] {strides = array<i32>} : memref<320x128xf32, #tpu.memory_space<vmem>>, vector<1x16xf32>,
          %swap3A_365 = vector.shape_cast %swap3A_364 : vector<1x16xf32> to vector<16xf32>
          %swap3A_366 = vector.shape_cast %parallel_loop3A_320#2 : vector<16xf32> to vector<1x16xf32>
          tpu.vector_store %arg11[%swap3A_362, %swap3A_363], %swap3A_366 {strides = array<i32>} : memref<320x128xf32, #tpu.memory_space<vmem>>, vector<1x16xf32>,
          %swap3A_367 = arith.index_cast %while3A_309 : i32 to index
          %swap3A_368 = arith.constant 48 : index
          %swap3A_369 = tpu.vector_load %arg11[%swap3A_367, %swap3A_368] {strides = array<i32>} : memref<320x128xf32, #tpu.memory_space<vmem>>, vector<1x16xf32>,
          %swap3A_370 = vector.shape_cast %swap3A_369 : vector<1x16xf32> to vector<16xf32>
          %swap3A_371 = vector.shape_cast %parallel_loop3A_320#3 : vector<16xf32> to vector<1x16xf32>
          tpu.vector_store %arg11[%swap3A_367, %swap3A_368], %swap3A_371 {strides = array<i32>} : memref<320x128xf32, #tpu.memory_space<vmem>>, vector<1x16xf32>,
          %swap3A_372 = arith.index_cast %while3A_309 : i32 to index
          %swap3A_373 = arith.constant 64 : index
          %swap3A_374 = tpu.vector_load %arg11[%swap3A_372, %swap3A_373] {strides = array<i32>} : memref<320x128xf32, #tpu.memory_space<vmem>>, vector<1x16xf32>,
          %swap3A_375 = vector.shape_cast %swap3A_374 : vector<1x16xf32> to vector<16xf32>
          %swap3A_376 = vector.shape_cast %parallel_loop3A_320#4 : vector<16xf32> to vector<1x16xf32>
          tpu.vector_store %arg11[%swap3A_372, %swap3A_373], %swap3A_376 {strides = array<i32>} : memref<320x128xf32, #tpu.memory_space<vmem>>, vector<1x16xf32>,
          %swap3A_377 = arith.index_cast %while3A_309 : i32 to index
          %swap3A_378 = arith.constant 80 : index
          %swap3A_379 = tpu.vector_load %arg11[%swap3A_377, %swap3A_378] {strides = array<i32>} : memref<320x128xf32, #tpu.memory_space<vmem>>, vector<1x16xf32>,
          %swap3A_380 = vector.shape_cast %swap3A_379 : vector<1x16xf32> to vector<16xf32>
          %swap3A_381 = vector.shape_cast %parallel_loop3A_320#5 : vector<16xf32> to vector<1x16xf32>
          tpu.vector_store %arg11[%swap3A_377, %swap3A_378], %swap3A_381 {strides = array<i32>} : memref<320x128xf32, #tpu.memory_space<vmem>>, vector<1x16xf32>,
          %swap3A_382 = arith.index_cast %while3A_309 : i32 to index
          %swap3A_383 = arith.constant 96 : index
          %swap3A_384 = tpu.vector_load %arg11[%swap3A_382, %swap3A_383] {strides = array<i32>} : memref<320x128xf32, #tpu.memory_space<vmem>>, vector<1x16xf32>,
          %swap3A_385 = vector.shape_cast %swap3A_384 : vector<1x16xf32> to vector<16xf32>
          %swap3A_386 = vector.shape_cast %parallel_loop3A_320#6 : vector<16xf32> to vector<1x16xf32>
          tpu.vector_store %arg11[%swap3A_382, %swap3A_383], %swap3A_386 {strides = array<i32>} : memref<320x128xf32, #tpu.memory_space<vmem>>, vector<1x16xf32>,
          %swap3A_387 = arith.index_cast %while3A_309 : i32 to index
          %swap3A_388 = arith.constant 112 : index
          %swap3A_389 = tpu.vector_load %arg11[%swap3A_387, %swap3A_388] {strides = array<i32>} : memref<320x128xf32, #tpu.memory_space<vmem>>, vector<1x16xf32>,
          %swap3A_390 = vector.shape_cast %swap3A_389 : vector<1x16xf32> to vector<16xf32>
          %swap3A_391 = vector.shape_cast %parallel_loop3A_320#7 : vector<16xf32> to vector<1x16xf32>
          tpu.vector_store %arg11[%swap3A_387, %swap3A_388], %swap3A_391 {strides = array<i32>} : memref<320x128xf32, #tpu.memory_space<vmem>>, vector<1x16xf32>,
        } else {
        }
        %add3A_325 = arith.constant 1 : i32
        %add3A_326 = arith.addi %while3A_309, %add3A_325 : i32
        %get3A_327 = arith.index_cast %add3A_326 : i32 to index
        %get3A_328 = tpu.vector_load %arg8[%get3A_327] {strides = array<i32>} : memref<344xi32, #tpu.memory_space<vmem>>, vector<16xi32>,
        %get3A_329 = vector.shape_cast %get3A_328 : vector<16xi32> to vector<16xi32>
        %slice3A_330 = vector.extract_strided_slice %get3A_329 {offsets = [0], sizes = [1], strides = [1]} : vector<16xi32> to vector<1xi32>
        %squeeze3A_331 = vector.extract %slice3A_330[0] : i32 from vector<1xi32>
        %sub3A_332 = arith.subi %squeeze3A_331, %mul3A_2 : i32
        %jit3A_333 = arith.constant 0 : i32
        %jit3A_334 = arith.constant 327 : i32
        %max3A_335 = arith.maxsi %jit3A_333, %sub3A_332 : i32
        %min3A_336 = arith.minsi %jit3A_334, %max3A_335 : i32
        %select_n3A_337 = arith.select %and3A_323, %min3A_336, %while3A_309 : i32
        %add3A_338 = arith.constant 1 : i32
        %add3A_339 = arith.addi %select_n3A_337, %add3A_338 : i32
        %get3A_340 = arith.index_cast %add3A_339 : i32 to index
        %get3A_341 = tpu.vector_load %arg7[%get3A_340] {strides = array<i32>} : memref<344xi32, #tpu.memory_space<vmem>>, vector<16xi32>,
        %get3A_342 = vector.shape_cast %get3A_341 : vector<16xi32> to vector<16xi32>
        %slice3A_343 = vector.extract_strided_slice %get3A_342 {offsets = [0], sizes = [1], strides = [1]} : vector<16xi32> to vector<1xi32>
        %squeeze3A_344 = vector.extract %slice3A_343[0] : i32 from vector<1xi32>
        %select_n3A_345 = arith.select %and3A_323, %broadcast_in_dim3A_37, %parallel_loop3A_320#0 : vector<16xf32>
        %select_n3A_346 = arith.select %and3A_323, %broadcast_in_dim3A_37, %parallel_loop3A_320#1 : vector<16xf32>
        %select_n3A_347 = arith.select %and3A_323, %broadcast_in_dim3A_37, %parallel_loop3A_320#2 : vector<16xf32>
        %select_n3A_348 = arith.select %and3A_323, %broadcast_in_dim3A_37, %parallel_loop3A_320#3 : vector<16xf32>
        %select_n3A_349 = arith.select %and3A_323, %broadcast_in_dim3A_37, %parallel_loop3A_320#4 : vector<16xf32>
        %select_n3A_350 = arith.select %and3A_323, %broadcast_in_dim3A_37, %parallel_loop3A_320#5 : vector<16xf32>
        %select_n3A_351 = arith.select %and3A_323, %broadcast_in_dim3A_37, %parallel_loop3A_320#6 : vector<16xf32>
        %select_n3A_352 = arith.select %and3A_323, %broadcast_in_dim3A_37, %parallel_loop3A_320#7 : vector<16xf32>
        scf.yield %min3A_319, %select_n3A_337, %squeeze3A_344, %select_n3A_345, %select_n3A_346, %select_n3A_347, %select_n3A_348, %select_n3A_349, %select_n3A_350, %select_n3A_351, %select_n3A_352 : i32, i32, i32, vector<16xf32>, vector<16xf32>, vector<16xf32>, vector<16xf32>, vector<16xf32>, vector<16xf32>, vector<16xf32>, vector<16xf32>
      }
      scf.yield %while3A_306#0, %while3A_306#1, %while3A_306#2, %while3A_306#3, %while3A_306#4, %while3A_306#5, %while3A_306#6, %while3A_306#7, %while3A_306#8, %while3A_306#9, %while3A_306#10 : i32, i32, i32, vector<16xf32>, vector<16xf32>, vector<16xf32>, vector<16xf32>, vector<16xf32>, vector<16xf32>, vector<16xf32>, vector<16xf32>
    }
    %dma_wait3A = arith.constant 0 : i32
    %dma_wait3A_121 = arith.constant 0 : i32
    %dma_wait3A_122 = tpu.memref_slice %arg10[%dma_wait3A, %dma_wait3A_121] : memref<528x128xf32, #tpu.memory_space<vmem>> -> memref<264x128xf32, #tpu.memory_space<vmem>>
    %dma_wait3A_123 = arith.constant 0 : i32
    %dma_wait3A_124 = arith.constant 0 : i32
    %dma_wait3A_125 = tpu.memref_slice %arg2[%dma_wait3A_123, %dma_wait3A_124] : memref<320000x128xf32, #tpu.memory_space<hbm>> -> memref<264x128xf32, #tpu.memory_space<hbm>>
    %dma_wait3A_126 = arith.constant 0 : i32
    %dma_wait3A_127 = arith.constant 0 : i32
    %dma_wait3A_128 = tpu.memref_slice %arg10[%dma_wait3A_126, %dma_wait3A_127] : memref<528x128xf32, #tpu.memory_space<vmem>> -> memref<264x128xf32, #tpu.memory_space<vmem>>
    %dma_wait3A_129 = arith.constant 0 : i32
    %dma_wait3A_130 = arith.constant 0 : i32
    %dma_wait3A_131 = tpu.memref_slice %arg2[%dma_wait3A_129, %dma_wait3A_130] : memref<320000x128xf32, #tpu.memory_space<hbm>> -> memref<264x128xf32, #tpu.memory_space<hbm>>
    tpu.wait_dma2 semaphore(%arg12 : memref<!tpu.dma_semaphore, #tpu.memory_space<semaphore_mem>>) src(%dma_wait3A_131 : memref<264x128xf32, #tpu.memory_space<hbm>>) dst(%dma_wait3A_128 : memref<264x128xf32, #tpu.memory_space<vmem>>)
    "tpu.region"() ({
      %run_scoped3A = tpu.sem_alloc : memref<!tpu.dma_semaphore, #tpu.memory_space<semaphore_mem>>
      %dma_start3A_132 = arith.constant 0 : i32
      %dma_start3A_133 = tpu.memref_slice %arg6[%mul3A_2, %dma_start3A_132] : memref<10240x128xf32, #tpu.memory_space<hbm>> -> memref<320x128xf32, #tpu.memory_space<hbm>>
      %dma_start3A_134 = arith.constant 0 : i32
      %dma_start3A_135 = tpu.memref_slice %arg6[%mul3A_2, %dma_start3A_134] : memref<10240x128xf32, #tpu.memory_space<hbm>> -> memref<320x128xf32, #tpu.memory_space<hbm>>
      tpu.enqueue_dma source(%arg11 : memref<320x128xf32, #tpu.memory_space<vmem>>) target(%dma_start3A_135 : memref<320x128xf32, #tpu.memory_space<hbm>>) target_semaphore(%run_scoped3A : memref<!tpu.dma_semaphore, #tpu.memory_space<semaphore_mem>>)
      %dma_wait3A_136 = arith.constant 0 : i32
      %dma_wait3A_137 = tpu.memref_slice %arg6[%mul3A_2, %dma_wait3A_136] : memref<10240x128xf32, #tpu.memory_space<hbm>> -> memref<320x128xf32, #tpu.memory_space<hbm>>
      %dma_wait3A_138 = arith.constant 0 : i32
      %dma_wait3A_139 = tpu.memref_slice %arg6[%mul3A_2, %dma_wait3A_138] : memref<10240x128xf32, #tpu.memory_space<hbm>> -> memref<320x128xf32, #tpu.memory_space<hbm>>
      tpu.wait_dma2 semaphore(%run_scoped3A : memref<!tpu.dma_semaphore, #tpu.memory_space<semaphore_mem>>) src(%arg11 : memref<320x128xf32, #tpu.memory_space<vmem>>) dst(%dma_wait3A_139 : memref<320x128xf32, #tpu.memory_space<hbm>>)
      tpu.yield
    }) : () -> ()
    return
  }
}

</mosaic_0001>

<sc_bundles>
// kernel: kernel.3.cloned.1.call-start
scs
__scs_entry_jumppad:
0x0: {  	(pc) =	sbr.rel $0x88, $3  }
0x1: {  	(tag) =	ssettag $0x0;
	lr =	simm.s32 $0x1  }
0x2: {  	[smem:$0x3F9F] =	sst lr;
	_ =	strace $0xD0000000  }
0x3: {  	_ = 	snop  }
0x4: {  	_ = 	snop  }
0x5: {  	_ = 	snop  }
0x6: {  	_ = 	snop  }
0x7: {  	_ = 	snop  }
__scs_overlays_trampoline_lowered:
0x8: {  	[smem:$0x3FAE] =	sst s0  }
0x9: {  	[smem:$0x3FAF] =	sst s1  }
0xa: {  	[smem:$0x3FB0] =	sst s2  }
0xb: {  	[smem:$0x3FB1] =	sst s3  }
0xc: {  	[smem:$0x3FB2] =	sst s4  }
0xd: {  	[smem:$0x3FB3] =	sst s5  }
0xe: {  	[smem:$0x3FB4] =	sst s6  }
0xf: {  	[smem:$0x3FB5] =	sst s7  }
0x10: {  	[smem:$0x3FB6] =	sst s8  }
0x11: {  	[smem:$0x3FB7] =	sst s9;
	s0 =	simm.s32 @!p0 $0x0  }
0x12: {  	s1 =	sld [smem:$0x3F9D];
	s0 =	simm.s32 @p0 $0x1  }
0x13: {  	[smem:$0x3FB8] =	sst s0;
	s0 =	simm.s32 @!p1 $0x0  }
0x14: {  	s2 =	sld [smem:$0x3F9C];
	s0 =	simm.s32 @p1 $0x1  }
0x15: {  	[smem:$0x3FB9] =	sst s0;
	s0 =	simm.s32 @!p2 $0x0  }
0x16: {  	s3 =	sld [smem:$0x3FDB];
	s0 =	simm.s32 @p2 $0x1  }
0x17: {  	s4 =	simm.s32 $0x1BF5;
	[smem:$0x3FBB] =	sst s0  }
0x18: {  	s0 =	sld [smem:$0x3F9E];
	_ =	swait.ge [sflag:s4], $0x0  }
0x19: {  	s7 =	sld [smem:$0x3F9F]  }
0x1a: {  	s8 =	sadd.s32 $0xFFFFE003, lr  }
0x1b: {  	s9 =	sadd.s32 $0xFFFFFEF7, lr;
	s5 =	simm.s32 $0xFFFFFFFF;
	p2 =	slt.u32 s8, $0xFFFFF086  }
0x1c: {  	p1 =	slt.u32 s9, $0xF7A;
	s5 =	simm.s32 @!p2 $0x0  }
0x1d: {  	s5 =	simm.s32 @p1 $0x1;
	p0 =	seq.s32 s7, s2  }
0x1e: {  	s7 =	smul.u32 @!p0 $0xF7A, s2;
	p2 =	seq.s32 @!p0 s5, $0x0  }
0x1f: {  	s9 =	smul.u32 $0xF7A, s1;
	s8 =	simm.s32 @!p0 $0x1BF5;
	p2 =	por !p2, p0  }
0x20: {  	[sflag:s8] =	ssyncset.s32 @!p0 $0xFFFFF086;
	s6 =	sadd.s32 @!p0 s3, s7;
	s7 =	simm.s32 @!p0 $0x108  }
0x21: {  	s3 =	sadd.s32 s3, s9;
	s6 =	sadd.s32 @!p0 $0x88, s6;
	s7 =	simm.s32 @p2 $0x1082  }
0x22: {  	[simem:s7], [sflag:s8] =	dma.local @!p0 [hbm:s6], $0xF7A  }
0x23: {  	s9 =	sor.u32 $0xD0000000, s2;
	s6 =	simm.s32 $0x108;
	_ =	swait.ge @!p0 [sflag:s8], $0x0  }
0x24: {  	s3 =	sadd.s32 $0x88, s3;
	s6 =	simm.s32 @!p1 $0x1082;
	[sflag:s4] =	ssyncset.s32 $0xFFFFF086  }
0x25: {  	[simem:s6], [sflag:s4] =	dma.local [hbm:s3], $0xF7A  }
0x26: {  	[smem:$0x3F9F] =	sst s1;
	(tag) =	ssettag s2;
	_ =	strace s9  }
0x27: {  	s1 =	sld [smem:$0x3FAF]  }
0x28: {  	s2 =	sld [smem:$0x3FB0]  }
0x29: {  	s4 =	sld [smem:$0x3FB2]  }
0x2a: {  	p0 =	seq.s32 s5, $0x0;
	s5 =	sld [smem:$0x3FB3]  }
0x2b: {  	s6 =	sld [smem:$0x3FB4]  }
0x2c: {  	s7 =	sld [smem:$0x3FB5]  }
0x2d: {  	s3 =	simm.s32 $0x108;
	s8 =	sld [smem:$0x3FB6]  }
0x2e: {  	s3 =	simm.s32 @!p0 $0x1082;
	s9 =	sld [smem:$0x3FB7]  }
0x2f: {  	lr =	sadd.s32 s0, s3;
	s0 =	sld [smem:$0x3FAE]  }
0x30: {  	s3 =	sld [smem:$0x3FB1]  }
0x31: {  	[smem:$0x3FBA] =	sst s10  }
0x32: {  	s10 =	sld [smem:$0x3FB8];
	_ =	sdelay $0x3  }
0x33: {  	p0 =	seq.s32 s10, $0x1;
	s10 =	sld [smem:$0x3FBA];
	_ =	sdelay $0x3  }
0x34: {  	[smem:$0x3FBA] =	sst s10  }
0x35: {  	s10 =	sld [smem:$0x3FB9];
	_ =	sdelay $0x3  }
0x36: {  	p1 =	seq.s32 s10, $0x1;
	s10 =	sld [smem:$0x3FBA];
	_ =	sdelay $0x3  }
0x37: {  	[smem:$0x3FBA] =	sst s10  }
0x38: {  	s10 =	sld [smem:$0x3FBB]  }
0x39: {  	_ = 	snop;
	(pc) =	sbr.ind lr, $3  }
0x3a: {  	_ = 	snop  }
0x3b: {  	_ = 	snop  }
0x3c: {  	p2 =	seq.s32 s10, $0x1;
	s10 =	sld [smem:$0x3FBA]  }
0x3d: {  	_ =	shalt  }
0x3e: {  	_ =	shalt  }
0x3f: {  	_ =	shalt  }
0x40: {  	_ =	shalt  }
0x41: {  	_ =	shalt  }
0x42: {  	_ =	shalt  }
0x43: {  	_ =	shalt  }
0x44: {  	_ =	shalt  }
0x45: {  	_ =	shalt  }
0x46: {  	_ =	shalt  }
0x47: {  	_ =	shalt  }
0x48: {  	_ =	shalt  }
0x49: {  	_ =	shalt  }
0x4a: {  	_ =	shalt  }
0x4b: {  	_ =	shalt  }
0x4c: {  	_ =	shalt  }
0x4d: {  	_ =	shalt  }
0x4e: {  	_ =	shalt  }
0x4f: {  	_ =	shalt  }
0x50: {  	_ =	shalt  }
0x51: {  	_ =	shalt  }
0x52: {  	_ =	shalt  }
0x53: {  	_ =	shalt  }
0x54: {  	_ =	shalt  }
0x55: {  	_ =	shalt  }
0x56: {  	_ =	shalt  }
0x57: {  	_ =	shalt  }
0x58: {  	_ =	shalt  }
0x59: {  	_ =	shalt  }
0x5a: {  	_ =	shalt  }
0x5b: {  	_ =	shalt  }
0x5c: {  	_ =	shalt  }
0x5d: {  	_ =	shalt  }
0x5e: {  	_ =	shalt  }
0x5f: {  	_ =	shalt  }
0x60: {  	_ =	shalt  }
0x61: {  	_ =	shalt  }
0x62: {  	_ =	shalt  }
0x63: {  	_ =	shalt  }
0x64: {  	_ =	shalt  }
0x65: {  	_ =	shalt  }
0x66: {  	_ =	shalt  }
0x67: {  	_ =	shalt  }
0x68: {  	_ =	shalt  }
0x69: {  	_ =	shalt  }
0x6a: {  	_ =	shalt  }
0x6b: {  	_ =	shalt  }
0x6c: {  	_ =	shalt  }
0x6d: {  	_ =	shalt  }
0x6e: {  	_ =	shalt  }
0x6f: {  	_ =	shalt  }
0x70: {  	_ =	shalt  }
0x71: {  	_ =	shalt  }
0x72: {  	_ =	shalt  }
0x73: {  	_ =	shalt  }
0x74: {  	_ =	shalt  }
0x75: {  	_ =	shalt  }
0x76: {  	_ =	shalt  }
0x77: {  	_ =	shalt  }
0x78: {  	_ =	shalt  }
0x79: {  	_ =	shalt  }
0x7a: {  	_ =	shalt  }
0x7b: {  	_ =	shalt  }
0x7c: {  	_ =	shalt  }
0x7d: {  	_ =	shalt  }
0x7e: {  	_ =	shalt  }
0x7f: {  	_ =	shalt  }
0x80: {  	_ =	shalt  }
0x81: {  	_ =	shalt  }
0x82: {  	_ =	shalt  }
0x83: {  	_ =	shalt  }
0x84: {  	_ =	shalt  }
0x85: {  	_ =	shalt  }
0x86: {  	_ =	shalt  }
0x87: {  	_ =	shalt  }
.Lfunc_end0:
.L_simem_size_0:
called_computation.1_lowered:
.L_overlay_start_0:
0x88: {  	s2 =	sld [smem:$0x3FD9]  }
0x89: {  	s3 =	sld [smem:$0x3FFE];
	_ =	sdelay $0x1  }
0x8a: {  	s1 =	srdreg.scid  }
0x8b: {  	s0 =	sand.u32 $0x1, s1  }
0x8c: {  	s17 =	sshll.u32 s0, $0xA;
	s2 =	sadd.s32 s3, s2  }
0x8d: {  	s2 =	sadd.s32 s2, s17  }
0x8e: {  	[smem:$0x3FC6] =	sst s2  }
0x8f: {  	_ = 	snop  }
0x90: {  	s2 =	sld [smem:$0x3FC9];
	(tm) =	ssettm $0x1  }
0x91: {  	s18 =	sld [smem:$0x3FFB];
	_ =	sdelay $0x3  }
0x92: {  	_ =	strace s18  }
0x93: {  	s3 =	sld [smem:$0x3FFC];
	_ =	sdelay $0x3  }
0x94: {  	_ =	strace s3  }
0x95: {  	s3 =	sld [smem:$0x3FFD];
	_ =	sdelay $0x3  }
0x96: {  	_ =	strace s3  }
0x97: {  	_ =	strace $0x8FFFFFFF  }
0x98: {  	s19 =	sld [smem:$0x3FDB];
	_ =	sdelay $0x1  }
0x99: {  	s4 =	simm.s32 $_scs_section_size  }
0x9a: {  	s5 =	simm.s32 $_size__tile_overlayer_lowered;
	s6 =	simm.s32 $_tile_overlayer_lowered  }
0x9b: {  	s22 =	simm.s32 $0x1BFF;
	s21 =	sshll.u32 s6, $0x1;
	s3 =	sadd.s32 s4, s19  }
0x9c: {  	s7 =	simm.s32 $0x0;
	s20 =	sshll.u32 s5, $0x1;
	s5 =	sadd.s32 s21, s3  }
0x9d: {  	[timem:s7], [sflag:s22] =	dma.local [hbm:s5], s20  }
0x9e: {  	_ =	swait.ge [sflag:s22], s20  }
0x9f: {  	s4 =	ssub.s32 $0x0, s20;
	[sflag:s22] =	ssyncset.done $0x0  }
0xa0: {  	[sflag:s22] =	ssyncadd.s32 s4;
	_ =	sdelay $0x1  }
0xa1: {  	s23 =	simm.s32 $0x1B8B  }
0xa2: {  	_ =	swait.ge [sflag:s23], $0x1  }
0xa3: {  	[sflag:s23] =	ssyncset.done $0x0  }
0xa4: {  	s25 =	simm.s32 $0x1B8E;
	s24 =	sld [smem:$0x3FFE];
	[sflag:s23] =	ssyncadd.s32 $0xFFFFFFFF  }
0xa5: {  	s26 =	simm.s32 $execute0_lowered;
	[smem:$0x3FD2] =	sst s25  }
0xa6: {  	s5 =	sshll.u32 s26, $0x1;
	_ =	strace $0x80000049;
	[dreg:$0x1] =	wrdreg $0xFFFFFFFF  }
0xa7: {  	s28 =	simm.s32 $_size_execute0_lowered;
	s3 =	sadd.s32 s3, s5;
	[dreg:$0x0] =	wrdreg $0x0  }
0xa8: {  	s5 =	sshll.u32 s28, $0x1;
	[dreg:$0x2] =	wrdreg s3  }
0xa9: {  	[dreg:$0x3] =	wrdreg s5  }
0xaa: {  	[dreg:$0x4] =	wrdreg $0xC0  }
0xab: {  	_ =	task [dreg:s7], $0x5FFFF  }
0xac: {  	[dreg:$0x1] =	wrdreg $0xFFFFFFFF  }
0xad: {  	[dreg:$0x0] =	wrdreg $0x60  }
0xae: {  	[dreg:$0x2] =	wrdreg s2  }
0xaf: {  	[dreg:$0x3] =	wrdreg s24  }
0xb0: {  	[dreg:$0x4] =	wrdreg $0x9  }
0xb1: {  	_ =	task.clear_ibuf [dreg:s7], $0x5FFFF;
	_ =	strace $0x90000049  }
0xb2: {  	s29 =	simm.s32 $0x9;
	_ =	strace $0x8000004B  }
0xb3: {  	_ =	swait.ge [sflag:s29], $0x1  }
0xb4: {  	[sflag:s29] =	ssyncadd.s32 $0xFFFFFFFF  }
0xb5: {  	_ =	strace $0x9000004B  }
0xb6: {  	_ =	sfence  }
0xb7: {  	s30 =	sld [smem:$0x0];
	_ =	sdelay $0x2  }
0xb8: {  	s31 =	sshll.u32 s1, $0xD;
	s1 =	sshrl.u32 s1, $0x2  }
0xb9: {  	s3 =	sand.u32 $0x4000, s31;
	s1 =	sadd.s32 s1, s30  }
0xba: {  	s0 =	sor.u32 s3, s0;
	s1 =	sshll.u32 s1, $0x11  }
0xbb: {  	s0 =	sor.u32 s1, s0  }
0xbc: {  	s0 =	sadd.s32 $0x8F2B, s0  }
0xbd: {  	[sflag:s0] =	ssyncadd.remote.s32 $0x1  }
0xbe: {  	_ =	sfence.sel $0xFFFF  }
0xbf: {  	[dreg:$0x0] =	wrdreg $0xFFFFFFFF;
	(pc) =	sbr.abs _section_cstart, $3  }
0xc0: {  	[dreg:$0x1] =	wrdreg $0xFFFFFFFF  }
0xc1: {  	_ =	task.clear_ibuf [dreg:s7], $0x2FFFF;
	_ =	strace $0x9FFFFFFF  }
0xc2: {  	(tm) =	ssettm $0x7FFFFFFF  }
0xc3: {  	_ =	shalt  }
tec
execute0_lowered:
.L_overlay_start_1:
0x0: {  	(tag) =	ssettag $0x1  }
0x1: {  	s0 =	srdreg.scid;
	s1 =	stileid.u32  }
0x2: {  	s2 =	rddreg [dreg:$0x0];
	s0 =	sand.u32 $0x1, s0;
	s1 =	sshll.u32 s1, $0x1  }
0x3: {  	s5 =	rddreg [dreg:$0x1];
	s1 =	sor.u32 s0, s1  }
0x4: {  	s3 =	simm.s32 $0x0;
	s11 =	simm.s32 $0x2;
	s6 =	smul.u32 $0x9F, s1  }
0x5: {  	s14 =	simm.s32 $0x1;
	s16 =	simm.s32 $0x11000;
	s7 =	smul.u32 $0x1400, s1  }
0x6: {  	s17 =	simm.s32 $0x0;
	s0 =	ssub.s32 $0x2, s0;
	s4 =	smul.u32 $0x140, s1  }
.Ltmp0:
0x7: {  	[smem:$0x7FF] =	sst s3;
	s29 =	sshrl.u32 s0, $0x1;
	(pc) =	sbr.rel .LBB2_1-.Ltmp0, $4  }
0x8: {  	_ =	strace $0x8000004A;
	s0 =	ssub.s32 s0, s29;
	s28 =	sadd.s32 s6, s5  }
0x9: {  	s9 =	sadd.s32 s7, s5;
	s30 =	sshrl.u32 s4, $0x3;
	s31 =	ssub.s32 $0x2710, s4  }
0xa: {  	s10 =	smax.u32 s0, $0x1;
	s5 =	sadd.s32 s5, s30;
	s6 =	smin.u32 s31, $0x140  }
0xb: {  	v0 =	vimm.f32 $0.0e+00;
	s8 =	sadd.s32 $0x1800, s28;
	s9 =	sadd.s32 $0x2C00, s9;
	s7 =	sadd.s32 $0x1200, s5  }
.LBB2_17:
0xc: {  	_ =	swait.ge [sflag:s14], $0x8400;
	s17 =	sadd.s32 $0x1, s17  }
0xd: {  	[sflag:s14] =	ssyncset.done $0x0;
	p0 =	sne.s32 s17, s10  }
.Ltmp1:
0xe: {  	[sflag:s14] =	ssyncadd.s32 $0xFFFF7C00;
	(pc) =	sbr.rel @!p0 .LBB2_18-.Ltmp1, $4  }
0xf: {  	[hbm4b:s9+s3] =	stream.linear.scatter [tilespmem:s16], [sflag:$0x2], $0xA000, $0x38;
	[tilespmem:$0x1B000] =	vst v63  }
0x10: {  	_ =	swait.ge [sflag:s11], $0xA000  }
0x11: {  	[sflag:s11] =	ssyncset.done $0x0  }
0x12: {  	[sflag:s11] =	ssyncadd.s32 $0xFFFF6000  }
.LBB2_1:
0x13: {  	[tilespmem:s3], [sflag:$0x2] =	stream.linear.gather [hbm4b:s5+s3], $0x158, $0x38;
	[tilespmem:$0x1B000] =	vst v63  }
0x14: {  	_ =	swait.ge [sflag:s11], $0x158  }
0x15: {  	[sflag:s11] =	ssyncset.done $0x0  }
0x16: {  	s0 =	simm.s32 $0x180;
	[sflag:s11] =	ssyncadd.s32 $0xFFFFFEA8  }
0x17: {  	[tilespmem:s0], [sflag:$0x2] =	stream.linear.gather [hbm4b:s7+s3], $0x158, $0x38;
	[tilespmem:$0x1B000] =	vst v63  }
0x18: {  	_ =	swait.ge [sflag:s11], $0x158  }
0x19: {  	[sflag:s11] =	ssyncset.done $0x0  }
0x1a: {  	s30 =	simm.s32 $0x300;
	[sflag:s11] =	ssyncadd.s32 $0xFFFFFEA8  }
0x1b: {  	[tilespmem:s30], [sflag:$0x2] =	stream.linear.gather [hbm4b:s8+s3], $0x4F8, $0x38;
	[tilespmem:$0x1B000] =	vst v63  }
0x1c: {  	_ =	swait.ge [sflag:s11], $0x4F8  }
0x1d: {  	[sflag:s11] =	ssyncset.done $0x0  }
0x1e: {  	[sflag:s11] =	ssyncadd.s32 $0xFFFFFB08  }
0x1f: {  	v1 =	vld [tilespmem:$0x180];
	_ =	sdelay $0x4  }
0x20: {  	(v2sf) =	vpush v1, $0x0;
	_ =	sdelay $0xe  }
0x21: {  	s31 =	spop (v2sf)  }
0x22: {  	s0 =	ssub.s32 s31, s4  }
0x23: {  	p0 =	sgt.s32 s0, $0x0  }
0x24: {  	v2 =	vld [tilespmem:$0x0];
	s0 =	simm.s32 @!p0 $0x0  }
0x25: {  	v3 =	vld [tilespmem:s6+$0x0];
	s18 =	smin.u32 s0, $0x147  }
0x26: {  	s1 =	simm.s32 $0x0;
	s0 =	simm.s32 $0x200;
	v1 =	vld [tilespmem:s18+$0x1]  }
.LBB2_2:
0x27: {  	p0 =	sne.s32 s0, $0x27E00;
	[tilespmem:s1+$0x11070] =	vst v0  }
0x28: {  	[tilespmem:s1+$0x11000] =	vst v0  }
0x29: {  	[tilespmem:s1+$0x11010] =	vst v0  }
.Ltmp2:
0x2a: {  	[tilespmem:s1+$0x11020] =	vst v0;
	(pc) =	sbr.rel @p0 .LBB2_2-.Ltmp2, $4  }
0x2b: {  	[tilespmem:s1+$0x11030] =	vst v0  }
0x2c: {  	[tilespmem:s1+$0x11040] =	vst v0  }
0x2d: {  	[tilespmem:s1+$0x11050] =	vst v0  }
0x2e: {  	[tilespmem:s1+$0x11060] =	vst v0;
	s1 =	sshra.s32 s0, $0x2;
	s0 =	sadd.s32 $0x200, s0  }
0x2f: {  	(v2sf) =	vpush v2, $0x0  }
0x30: {  	(v2sf) =	vpush v3, $0x0;
	_ =	sdelay $0xd  }
0x31: {  	s19 =	spop (v2sf)  }
0x32: {  	s21 =	simm.s32 $0x1;
	s0 =	spop (v2sf);
	s12 =	sand.u32 $0x7, s19  }
0x33: {  	s20 =	sshra.s32 s19, $0x1F;
	p1 =	slt.s32 s19, $0x1;
	p0 =	sne.s32 s12, $0x0  }
0x34: {  	s26 =	ssub.s32 s0, s19;
	s20 =	sshrl.u32 s20, $0x1D;
	p1 =	por !p1, !p0  }
0x35: {  	s20 =	sadd.s32 s20, s19;
	s12 =	sadd.s32 $0xFF, s26;
	p1 =	por !p1, !p1  }
0x36: {  	s20 =	sshrl.u32 s20, $0x3;
	s28 =	sand.u32 $0xFF, s12;
	s29 =	sshra.s32 s12, $0x1F  }
0x37: {  	p2 =	slt.s32 s12, $0x1;
	s21 =	simm.s32 @!p1 $0x0;
	p6 =	sne.s32 s28, $0x0  }
0x38: {  	s20 =	ssub.s32 s20, s21;
	s21 =	sshrl.u32 s29, $0x18;
	p1 =	por !p2, !p6  }
0x39: {  	[tilespmem:s1+$0x11070] =	vst v0;
	s12 =	sadd.s32 s21, s12;
	p1 =	por !p1, !p1;
	s21 =	simm.s32 $0x1  }
0x3a: {  	[tilespmem:s1+$0x11000] =	vst v0;
	s12 =	sshra.s32 s12, $0x8;
	s21 =	simm.s32 @!p1 $0x0  }
0x3b: {  	[tilespmem:s1+$0x11010] =	vst v0;
	s20 =	sshll.u32 s20, $0x3;
	s21 =	ssub.s32 s12, s21  }
0x3c: {  	[tilespmem:s1+$0x11020] =	vst v0;
	p3 =	sgt.s32 s20, $0x0;
	p1 =	slt.s32 s21, $0x1  }
.Ltmp3:
0x3d: {  	[tilespmem:s1+$0x11030] =	vst v0;
	s20 =	simm.s32 @!p3 $0x0;
	(pc) =	sbr.rel @p1 .LBB2_17-.Ltmp3, $4  }
0x3e: {  	[tilespmem:s1+$0x11040] =	vst v0;
	s20 =	smin.u32 s20, $0x4E0F8  }
0x3f: {  	[tilespmem:s1+$0x11050] =	vst v0;
	s20 =	sshll.u32 s20, $0x4  }
0x40: {  	[tilespmem:s1+$0x11060] =	vst v0;
	s31 =	simm.s32 $0x800;
	s30 =	sadd.s32 s2, s20  }
0x41: {  	[tilespmem:s31], [sflag:$0x1] =	stream.linear.gather [hbm4b:s30+s3], $0x8400, $0x38;
	[tilespmem:$0x1B000] =	vst v63  }
0x42: {  	(v2sf) =	vpush v1, $0x0;
	_ =	sdelay $0xa  }
.Ltmp4:
0x43: {  	_ = 	snop;
	(pc) =	sbr.rel .LBB2_6-.Ltmp4, $4  }
0x44: {  	_ = 	snop  }
0x45: {  	p1 =	sgt.s32 s21, $0x1;
	s1 =	smov.u32 s21;
	v2 =	vimm.f32 $0.0e+00;
	v1 =	vimm.f32 $0.0e+00;
	s13 =	sadd.s32 $0x100, s19  }
0x46: {  	v4 =	vimm.f32 $0.0e+00;
	v5 =	vimm.f32 $0.0e+00;
	v3 =	vimm.f32 $0.0e+00;
	s25 =	simm.s32 $0x0;
	s30 =	smov.u32 s19;
	s1 =	simm.s32 @!p1 $0x1  }
0x47: {  	v6 =	vimm.f32 $0.0e+00;
	v7 =	vimm.f32 $0.0e+00;
	v8 =	vimm.f32 $0.0e+00;
	s22 =	smov.u32 s13;
	s23 =	sadd.s32 $0xFFFFFFFF, s1;
	s26 =	spop (v2sf)  }
.LBB2_7:
0x48: {  	s29 =	smov.u32 s30  }
.LBB2_5:
0x49: {  	p1 =	seq.s32 s25, s21  }
.Ltmp5:
0x4a: {  	_ = 	snop;
	(pc) =	sbr.rel @p1 .LBB2_17-.Ltmp5, $2  }
0x4b: {  	_ =	sdelay $0x2  }
0x4c: {  	s22 =	sadd.s32 $0x100, s22;
	s30 =	smov.u32 s29  }
.LBB2_6:
0x4d: {  	s1 =	smov.u32 s25;
	s25 =	sadd.s32 $0x1, s25  }
0x4e: {  	p1 =	slt.s32 s23, s25;
	s12 =	smov.u32 s25  }
0x4f: {  	s12 =	smov.u32 @p1 s23  }
0x50: {  	s12 =	sshll.u32 s12, $0x8  }
0x51: {  	s12 =	sadd.s32 s19, s12  }
0x52: {  	s20 =	sshra.s32 s12, $0x1F;
	p6 =	slt.s32 s12, $0x1  }
0x53: {  	s20 =	sshrl.u32 s20, $0x1D;
	p1 =	por !p0, !p6  }
0x54: {  	s12 =	sadd.s32 s20, s12;
	p1 =	por !p1, !p1;
	s20 =	simm.s32 $0x1  }
0x55: {  	s12 =	sshrl.u32 s12, $0x3;
	s20 =	simm.s32 @!p1 $0x0  }
0x56: {  	s12 =	ssub.s32 s12, s20  }
0x57: {  	s12 =	sshll.u32 s12, $0x3  }
0x58: {  	p1 =	sgt.s32 s12, $0x0  }
0x59: {  	_ =	swait.ge [sflag:s14], $0x8400;
	s12 =	simm.s32 @!p1 $0x0  }
0x5a: {  	[sflag:s14] =	ssyncset.done $0x0;
	s31 =	sand.u32 $0x1, s25;
	s12 =	smin.u32 s12, $0x4E0F8  }
0x5b: {  	s20 =	simm.s32 $0x8C00;
	p1 =	seq.s32 s31, $0x1;
	s12 =	sshll.u32 s12, $0x4  }
0x5c: {  	[sflag:s14] =	ssyncadd.s32 $0xFFFF7C00;
	s20 =	simm.s32 @!p1 $0x800;
	s12 =	sadd.s32 s2, s12  }
0x5d: {  	[tilespmem:s20], [sflag:$0x1] =	stream.linear.gather [hbm4b:s12+s3], $0x8400, $0x38;
	[tilespmem:$0x1B000] =	vst v63  }
0x5e: {  	v9 =	vld [tilespmem:s1+$0x300];
	_ =	sdelay $0x4  }
0x5f: {  	(v2sf) =	vpush v9, $0x0;
	_ =	sdelay $0xe  }
0x60: {  	s28 =	spop (v2sf)  }
0x61: {  	p1 =	slt.s32 s28, $0x1  }
.Ltmp6:
0x62: {  	_ = 	snop;
	(pc) =	sbr.rel @p1 .LBB2_7-.Ltmp6, $1  }
0x63: {  	_ =	sdelay $0x3  }
0x64: {  	p1 =	slt.s32 s23, s1  }
0x65: {  	s12 =	sshll.u32 s1, $0x8;
	s20 =	sand.u32 $0x1, s1;
	s1 =	smov.u32 @p1 s23  }
0x66: {  	s1 =	sshll.u32 s1, $0x8  }
0x67: {  	s1 =	sadd.s32 s19, s1  }
0x68: {  	s29 =	sshra.s32 s1, $0x1F;
	p6 =	slt.s32 s1, $0x1  }
0x69: {  	s29 =	sshrl.u32 s29, $0x1D;
	p1 =	por !p0, !p6  }
0x6a: {  	s1 =	sadd.s32 s29, s1;
	p1 =	por !p1, !p1;
	s29 =	simm.s32 $0x1  }
0x6b: {  	s1 =	sshrl.u32 s1, $0x3;
	s29 =	simm.s32 @!p1 $0x0  }
0x6c: {  	s1 =	ssub.s32 s1, s29  }
.Ltmp7:
0x6d: {  	s1 =	sshll.u32 s1, $0x3;
	(pc) =	sbr.rel .LBB2_9-.Ltmp7, $4  }
0x6e: {  	s12 =	sadd.s32 s12, s13;
	s29 =	simm.s32 $0x108;
	p1 =	sgt.s32 s1, $0x0  }
0x6f: {  	s1 =	simm.s32 @!p1 $0x0;
	p1 =	seq.s32 s20, $0x1;
	s20 =	smov.u32 s0  }
0x70: {  	s29 =	simm.s32 @!p1 $0x0;
	p1 =	slt.s32 s12, s0;
	s1 =	smin.u32 s1, $0x4E0F8  }
0x71: {  	s20 =	smov.u32 @p1 s12;
	s31 =	ssub.s32 s29, s1;
	s1 =	simm.s32 $0x0  }
.LBB2_11:
0x72: {  	v14 =	vmovc v5;
	v15 =	vmov v4;
	v16 =	vmov v2;
	v17 =	vmov v8  }
.LBB2_15:
0x73: {  	v18 =	vld [tilespmem:s30+$0xFFFFFFD0]  }
0x74: {  	v19 =	vld [tilespmem:s30+$0xFFFFFFE0]  }
0x75: {  	v20 =	vld [tilespmem:s30+$0xFFFFFFF0]  }
0x76: {  	v21 =	vld [tilespmem:s30+$0x0]  }
0x77: {  	v22 =	vld [tilespmem:s30+$0x10]  }
0x78: {  	v10 =	vadd.f32 @p1 v10, v14;
	v62 =	vld [tilespmem:s30+$0x20]  }
0x79: {  	v11 =	vadd.f32 @p1 v11, v15;
	v12 =	vadd.f32 @p1 v12, v16;
	v63 =	vld [tilespmem:s30+$0xFFFFFFC0]  }
0x7a: {  	v13 =	vadd.f32 @p1 v13, v17;
	v1 =	vadd.f32 v9, v1  }
0x7b: {  	v5 =	vpsel p1, v10, v5;
	v4 =	vpsel p1, v11, v4;
	v7 =	vadd.f32 v18, v7  }
0x7c: {  	v2 =	vpsel p1, v12, v2;
	v6 =	vadd.f32 v19, v6;
	v3 =	vadd.f32 v20, v3  }
0x7d: {  	v8 =	vpsel p1, v13, v8;
	v5 =	vadd.f32 v21, v5;
	v4 =	vadd.f32 v22, v4  }
0x7e: {  	v2 =	vadd.f32 v62, v2;
	v8 =	vadd.f32 v63, v8  }
.LBB2_16:
0x7f: {  	p1 =	sle.s32 s26, s20;
	p2 =	slt.u32 s18, s6  }
0x80: {  	p1 =	por !p2, !p1  }
0x81: {  	p1 =	por !p1, !p1  }
0x82: {  	s12 =	sshll.u32 @p1 s18, $0x7  }
0x83: {  	s12 =	sand.u32 @p1 $0x3FFFFF80, s12  }
0x84: {  	[tilespmem:s12+$0x11000] =	vst @p1 v8  }
0x85: {  	[tilespmem:s12+$0x11010] =	vst @p1 v7  }
0x86: {  	[tilespmem:s12+$0x11020] =	vst @p1 v6  }
0x87: {  	[tilespmem:s12+$0x11030] =	vst @p1 v3  }
0x88: {  	[tilespmem:s12+$0x11040] =	vst @p1 v5  }
0x89: {  	[tilespmem:s12+$0x11050] =	vst @p1 v4  }
0x8a: {  	[tilespmem:s12+$0x11060] =	vst @p1 v2  }
0x8b: {  	[tilespmem:s12+$0x11070] =	vst @p1 v1  }
0x8c: {  	v9 =	vld [tilespmem:s18+$0x181];
	_ =	sdelay $0x4  }
0x8d: {  	(v2sf) =	vpush v9, $0x0;
	_ =	sdelay $0xe  }
0x8e: {  	s26 =	spop (v2sf)  }
0x8f: {  	s12 =	ssub.s32 s26, s4  }
0x90: {  	p2 =	sgt.s32 s12, $0x0  }
0x91: {  	s12 =	simm.s32 @!p2 $0x0  }
0x92: {  	s12 =	smin.u32 s12, $0x147  }
0x93: {  	s18 =	smov.u32 @p1 s12  }
0x94: {  	v9 =	vld [tilespmem:s18+$0x1];
	_ =	sdelay $0x4  }
0x95: {  	(v2sf) =	vpush v9, $0x0;
	_ =	sdelay $0x8  }
0x96: {  	s1 =	sadd.s32 $0x1, s1  }
0x97: {  	p2 =	seq.s32 s1, s28  }
.Ltmp8:
0x98: {  	_ = 	snop;
	(pc) =	sbr.rel @p2 .LBB2_5-.Ltmp8, $4  }
0x99: {  	_ = 	snop  }
0x9a: {  	v1 =	vpsel p1, $0x0, v1;
	v2 =	vpsel p1, $0x0, v2  }
0x9b: {  	v4 =	vpsel p1, $0x0, v4;
	v5 =	vpsel p1, $0x0, v5;
	v3 =	vpsel p1, $0x0, v3  }
0x9c: {  	s30 =	smov.u32 s29;
	v6 =	vpsel p1, $0x0, v6;
	v7 =	vpsel p1, $0x0, v7;
	v8 =	vpsel p1, $0x0, v8;
	s26 =	spop (v2sf)  }
.LBB2_9:
0x9d: {  	p1 =	slt.s32 s26, s20;
	s29 =	smov.u32 s20  }
0x9e: {  	s29 =	smov.u32 @p1 s26  }
0x9f: {  	p1 =	sge.s32 s30, s29  }
.Ltmp9:
0xa0: {  	_ = 	snop;
	(pc) =	sbr.rel @p1 .LBB2_16-.Ltmp9, $1  }
0xa1: {  	_ =	sdelay $0x3  }
0xa2: {  	p1 =	slt.s32 s0, s26;
	s12 =	smov.u32 s26  }
0xa3: {  	s12 =	smov.u32 @p1 s0  }
0xa4: {  	s24 =	smov.u32 s22;
	p1 =	slt.s32 s12, s22  }
0xa5: {  	s24 =	smov.u32 @p1 s12  }
0xa6: {  	s24 =	ssub.s32 s24, s30  }
0xa7: {  	p2 =	sne.s32 s24, $0x1  }
.Ltmp10:
0xa8: {  	s15 =	sadd.s32 s30, s31;
	(pc) =	sbr.rel @!p2 .LBB2_11-.Ltmp10, $4  }
0xa9: {  	s15 =	sshll.u32 s15, $0x9  }
0xaa: {  	s12 =	sshra.s32 s15, $0x2  }
0xab: {  	s30 =	sadd.s32 $0x840, s12  }
0xac: {  	p1 =	por $0x0, $0x0;
	v9 =	vld [tilespmem:s30+$0x30];
	s12 =	sadd.s32 $0xFFFFFFFF, s24  }
0xad: {  	v14 =	vld [tilespmem:s30+$0xFFFFFFD0]  }
0xae: {  	v15 =	vld [tilespmem:s30+$0xFFFFFFE0]  }
0xaf: {  	v16 =	vld [tilespmem:s30+$0xFFFFFFF0];
	p2 =	sne.s32 s12, $0x1  }
.Ltmp11:
0xb0: {  	v10 =	vld [tilespmem:s30+$0x0];
	(pc) =	sbr.rel @!p2 .LBB2_13-.Ltmp11, $4  }
0xb1: {  	v11 =	vld [tilespmem:s30+$0x10]  }
0xb2: {  	v12 =	vld [tilespmem:s30+$0x20]  }
0xb3: {  	v13 =	vld [tilespmem:s30+$0xFFFFFFC0];
	s30 =	sadd.s32 $0x80, s30;
	v17 =	vmov v8;
	v1 =	vadd.f32 v9, v1;
	v7 =	vadd.f32 v14, v7  }
0xb4: {  	s12 =	sadd.s32 $0xFFFFFFFF, s12;
	p1 =	por $0x1, $0x1;
	v9 =	vld [tilespmem:s30+$0x30];
	v6 =	vadd.f32 v15, v6;
	v3 =	vadd.f32 v16, v3;
	v14 =	vmovc v5;
	v15 =	vmovc v4;
	v16 =	vmov v2  }
.LBB2_14:
0xb5: {  	p2 =	sne.s32 s12, $0x1;
	v18 =	vld [tilespmem:s30+$0xFFFFFFD0];
	v14 =	vadd.f32 v10, v14  }
0xb6: {  	v15 =	vadd.f32 v11, v15;
	v19 =	vld [tilespmem:s30+$0xFFFFFFE0]  }
0xb7: {  	v16 =	vadd.f32 v12, v16;
	v20 =	vld [tilespmem:s30+$0xFFFFFFF0]  }
.Ltmp12:
0xb8: {  	v17 =	vadd.f32 v13, v17;
	v10 =	vld [tilespmem:s30+$0x0];
	(pc) =	sbr.rel @p2 .LBB2_14-.Ltmp12, $4  }
0xb9: {  	v1 =	vadd.f32 v9, v1;
	v11 =	vld [tilespmem:s30+$0x10]  }
0xba: {  	v7 =	vadd.f32 v18, v7;
	v12 =	vld [tilespmem:s30+$0x20]  }
0xbb: {  	v13 =	vld [tilespmem:s30+$0xFFFFFFC0];
	v6 =	vadd.f32 v19, v6;
	s30 =	sadd.s32 $0x80, s30  }
0xbc: {  	s12 =	sadd.s32 $0xFFFFFFFF, s12;
	v9 =	vld [tilespmem:s30+$0x30];
	v3 =	vadd.f32 v20, v3  }
.Ltmp13:
0xbd: {  	_ = 	snop;
	(pc) =	sbr.rel .LBB2_15-.Ltmp13, $1  }
0xbe: {  	_ =	sdelay $0x3  }
.LBB2_13:
.Ltmp14:
0xbf: {  	(pc) =	sbr.rel .LBB2_15-.Ltmp14, $2  }
0xc0: {  	_ =	sdelay $0x2  }
0xc1: {  	v14 =	vmovc v5;
	v15 =	vmov v4;
	v16 =	vmov v2;
	v17 =	vmov v8  }
.LBB2_18:
0xc2: {  	_ =	sfence.sel $0x180000  }
0xc3: {  	[bflag:$0x0] =	sbarrier.arrive $0xFFFF  }
0xc4: {  	_ =	strace $0x9000004A  }
0xc5: {  	s0 =	stileid.u32;
	[bflag:$0x2] =	sbarrier.arrive $0xFFFF  }
0xc6: {  	p0 =	sne.s32 s0, $0x0;
	s0 =	rddreg [dreg:$0x2]  }
0xc7: {  	s0 =	sadd.s32 @!p0 $0x100000, s0  }
0xc8: {  	[sflag:s0] =	ssyncadd.tile.s32 @!p0 $0x1;
	_ =	shalt  }
.Lfunc_end2:
_tile_overlayer_lowered:
.L_overlay_start_2:
0xc9: {  	(tag) =	ssettag $0x2  }
0xca: {  	s0 =	rddreg [dreg:$0x0];
	s2 =	stileid.u32  }
0xcb: {  	s1 =	rddreg [dreg:$0x1];
	p0 =	sne.s32 s2, $0x0  }
0xcc: {  	s3 =	rddreg [dreg:$0x2];
	[bflag:$0x3] =	sbarrier.arrive $0xFFFF;
	s2 =	simm.s32 @!p0 $0x1C02  }
0xcd: {  	[timem:s3], [sflag:s2] =	dma.local @!p0 [hbm:s0], s1  }
0xce: {  	s0 =	simm.s32 @!p0 $0x2  }
0xcf: {  	_ =	swait.ge @!p0 [sflag:s0], s1  }
0xd0: {  	s1 =	ssub.s32 @!p0 $0x0, s1;
	[sflag:s0] =	ssyncset.done @!p0 $0x0  }
0xd1: {  	[sflag:s0] =	ssyncadd.s32 @!p0 s1  }
0xd2: {  	[bflag:$0x3] =	sbarrier.arrive $0xFFFF  }
0xd3: {  	_ =	shalt  }

// kernel: scatter_offload_async_start
scs
__scs_entry_jumppad:
0x0: {  	(pc) =	sbr.rel $0x88, $3  }
0x1: {  	(tag) =	ssettag $0x0;
	lr =	simm.s32 $0x1  }
0x2: {  	[smem:$0x3F9F] =	sst lr;
	_ =	strace $0xD0000000  }
0x3: {  	_ = 	snop  }
0x4: {  	_ = 	snop  }
0x5: {  	_ = 	snop  }
0x6: {  	_ = 	snop  }
0x7: {  	_ = 	snop  }
__scs_overlays_trampoline_lowered:
0x8: {  	[smem:$0x3FAE] =	sst s0  }
0x9: {  	[smem:$0x3FAF] =	sst s1  }
0xa: {  	[smem:$0x3FB0] =	sst s2  }
0xb: {  	[smem:$0x3FB1] =	sst s3  }
0xc: {  	[smem:$0x3FB2] =	sst s4  }
0xd: {  	[smem:$0x3FB3] =	sst s5  }
0xe: {  	[smem:$0x3FB4] =	sst s6  }
0xf: {  	[smem:$0x3FB5] =	sst s7  }
0x10: {  	[smem:$0x3FB6] =	sst s8  }
0x11: {  	[smem:$0x3FB7] =	sst s9;
	s0 =	simm.s32 @!p0 $0x0  }
0x12: {  	s1 =	sld [smem:$0x3F9D];
	s0 =	simm.s32 @p0 $0x1  }
0x13: {  	[smem:$0x3FB8] =	sst s0;
	s0 =	simm.s32 @!p1 $0x0  }
0x14: {  	s2 =	sld [smem:$0x3F9C];
	s0 =	simm.s32 @p1 $0x1  }
0x15: {  	[smem:$0x3FB9] =	sst s0;
	s0 =	simm.s32 @!p2 $0x0  }
0x16: {  	s3 =	sld [smem:$0x3FDB];
	s0 =	simm.s32 @p2 $0x1  }
0x17: {  	s4 =	simm.s32 $0x1BF5;
	[smem:$0x3FBB] =	sst s0  }
0x18: {  	s0 =	sld [smem:$0x3F9E];
	_ =	swait.ge [sflag:s4], $0x0  }
0x19: {  	s7 =	sld [smem:$0x3F9F]  }
0x1a: {  	s8 =	sadd.s32 $0xFFFFE003, lr  }
0x1b: {  	s9 =	sadd.s32 $0xFFFFFEF7, lr;
	s5 =	simm.s32 $0xFFFFFFFF;
	p2 =	slt.u32 s8, $0xFFFFF086  }
0x1c: {  	p1 =	slt.u32 s9, $0xF7A;
	s5 =	simm.s32 @!p2 $0x0  }
0x1d: {  	s5 =	simm.s32 @p1 $0x1;
	p0 =	seq.s32 s7, s2  }
0x1e: {  	s7 =	smul.u32 @!p0 $0xF7A, s2;
	p2 =	seq.s32 @!p0 s5, $0x0  }
0x1f: {  	s9 =	smul.u32 $0xF7A, s1;
	s8 =	simm.s32 @!p0 $0x1BF5;
	p2 =	por !p2, p0  }
0x20: {  	[sflag:s8] =	ssyncset.s32 @!p0 $0xFFFFF086;
	s6 =	sadd.s32 @!p0 s3, s7;
	s7 =	simm.s32 @!p0 $0x108  }
0x21: {  	s3 =	sadd.s32 s3, s9;
	s6 =	sadd.s32 @!p0 $0x88, s6;
	s7 =	simm.s32 @p2 $0x1082  }
0x22: {  	[simem:s7], [sflag:s8] =	dma.local @!p0 [hbm:s6], $0xF7A  }
0x23: {  	s9 =	sor.u32 $0xD0000000, s2;
	s6 =	simm.s32 $0x108;
	_ =	swait.ge @!p0 [sflag:s8], $0x0  }
0x24: {  	s3 =	sadd.s32 $0x88, s3;
	s6 =	simm.s32 @!p1 $0x1082;
	[sflag:s4] =	ssyncset.s32 $0xFFFFF086  }
0x25: {  	[simem:s6], [sflag:s4] =	dma.local [hbm:s3], $0xF7A  }
0x26: {  	[smem:$0x3F9F] =	sst s1;
	(tag) =	ssettag s2;
	_ =	strace s9  }
0x27: {  	s1 =	sld [smem:$0x3FAF]  }
0x28: {  	s2 =	sld [smem:$0x3FB0]  }
0x29: {  	s4 =	sld [smem:$0x3FB2]  }
0x2a: {  	p0 =	seq.s32 s5, $0x0;
	s5 =	sld [smem:$0x3FB3]  }
0x2b: {  	s6 =	sld [smem:$0x3FB4]  }
0x2c: {  	s7 =	sld [smem:$0x3FB5]  }
0x2d: {  	s3 =	simm.s32 $0x108;
	s8 =	sld [smem:$0x3FB6]  }
0x2e: {  	s3 =	simm.s32 @!p0 $0x1082;
	s9 =	sld [smem:$0x3FB7]  }
0x2f: {  	lr =	sadd.s32 s0, s3;
	s0 =	sld [smem:$0x3FAE]  }
0x30: {  	s3 =	sld [smem:$0x3FB1]  }
0x31: {  	[smem:$0x3FBA] =	sst s10  }
0x32: {  	s10 =	sld [smem:$0x3FB8];
	_ =	sdelay $0x3  }
0x33: {  	p0 =	seq.s32 s10, $0x1;
	s10 =	sld [smem:$0x3FBA];
	_ =	sdelay $0x3  }
0x34: {  	[smem:$0x3FBA] =	sst s10  }
0x35: {  	s10 =	sld [smem:$0x3FB9];
	_ =	sdelay $0x3  }
0x36: {  	p1 =	seq.s32 s10, $0x1;
	s10 =	sld [smem:$0x3FBA];
	_ =	sdelay $0x3  }
0x37: {  	[smem:$0x3FBA] =	sst s10  }
0x38: {  	s10 =	sld [smem:$0x3FBB]  }
0x39: {  	_ = 	snop;
	(pc) =	sbr.ind lr, $3  }
0x3a: {  	_ = 	snop  }
0x3b: {  	_ = 	snop  }
0x3c: {  	p2 =	seq.s32 s10, $0x1;
	s10 =	sld [smem:$0x3FBA]  }
0x3d: {  	_ =	shalt  }
0x3e: {  	_ =	shalt  }
0x3f: {  	_ =	shalt  }
0x40: {  	_ =	shalt  }
0x41: {  	_ =	shalt  }
0x42: {  	_ =	shalt  }
0x43: {  	_ =	shalt  }
0x44: {  	_ =	shalt  }
0x45: {  	_ =	shalt  }
0x46: {  	_ =	shalt  }
0x47: {  	_ =	shalt  }
0x48: {  	_ =	shalt  }
0x49: {  	_ =	shalt  }
0x4a: {  	_ =	shalt  }
0x4b: {  	_ =	shalt  }
0x4c: {  	_ =	shalt  }
0x4d: {  	_ =	shalt  }
0x4e: {  	_ =	shalt  }
0x4f: {  	_ =	shalt  }
0x50: {  	_ =	shalt  }
0x51: {  	_ =	shalt  }
0x52: {  	_ =	shalt  }
0x53: {  	_ =	shalt  }
0x54: {  	_ =	shalt  }
0x55: {  	_ =	shalt  }
0x56: {  	_ =	shalt  }
0x57: {  	_ =	shalt  }
0x58: {  	_ =	shalt  }
0x59: {  	_ =	shalt  }
0x5a: {  	_ =	shalt  }
0x5b: {  	_ =	shalt  }
0x5c: {  	_ =	shalt  }
0x5d: {  	_ =	shalt  }
0x5e: {  	_ =	shalt  }
0x5f: {  	_ =	shalt  }
0x60: {  	_ =	shalt  }
0x61: {  	_ =	shalt  }
0x62: {  	_ =	shalt  }
0x63: {  	_ =	shalt  }
0x64: {  	_ =	shalt  }
0x65: {  	_ =	shalt  }
0x66: {  	_ =	shalt  }
0x67: {  	_ =	shalt  }
0x68: {  	_ =	shalt  }
0x69: {  	_ =	shalt  }
0x6a: {  	_ =	shalt  }
0x6b: {  	_ =	shalt  }
0x6c: {  	_ =	shalt  }
0x6d: {  	_ =	shalt  }
0x6e: {  	_ =	shalt  }
0x6f: {  	_ =	shalt  }
0x70: {  	_ =	shalt  }
0x71: {  	_ =	shalt  }
0x72: {  	_ =	shalt  }
0x73: {  	_ =	shalt  }
0x74: {  	_ =	shalt  }
0x75: {  	_ =	shalt  }
0x76: {  	_ =	shalt  }
0x77: {  	_ =	shalt  }
0x78: {  	_ =	shalt  }
0x79: {  	_ =	shalt  }
0x7a: {  	_ =	shalt  }
0x7b: {  	_ =	shalt  }
0x7c: {  	_ =	shalt  }
0x7d: {  	_ =	shalt  }
0x7e: {  	_ =	shalt  }
0x7f: {  	_ =	shalt  }
0x80: {  	_ =	shalt  }
0x81: {  	_ =	shalt  }
0x82: {  	_ =	shalt  }
0x83: {  	_ =	shalt  }
0x84: {  	_ =	shalt  }
0x85: {  	_ =	shalt  }
0x86: {  	_ =	shalt  }
0x87: {  	_ =	shalt  }
.Lfunc_end0:
.L_simem_size_0:
called_computation_lowered:
.L_overlay_start_0:
0x88: {  	s0 =	sld [smem:$0x3FD9]  }
0x89: {  	s1 =	sld [smem:$0x3FFE];
	_ =	sdelay $0x3  }
0x8a: {  	s0 =	sadd.s32 s1, s0  }
0x8b: {  	[smem:$0x3FC6] =	sst s0  }
0x8c: {  	_ = 	snop  }
0x8d: {  	s0 =	sld [smem:$0x3FD0];
	(tm) =	ssettm $0x1  }
0x8e: {  	s16 =	sld [smem:$0x3FFB];
	_ =	sdelay $0x3  }
0x8f: {  	_ =	strace s16  }
0x90: {  	s1 =	sld [smem:$0x3FFC];
	_ =	sdelay $0x3  }
0x91: {  	_ =	strace s1  }
0x92: {  	s1 =	sld [smem:$0x3FFD];
	_ =	sdelay $0x3  }
0x93: {  	_ =	strace s1  }
0x94: {  	_ =	strace $0x8FFFFFFF  }
0x95: {  	s17 =	sld [smem:$0x3FDB];
	_ =	sdelay $0x1  }
0x96: {  	s2 =	simm.s32 $_scs_section_size  }
0x97: {  	s3 =	simm.s32 $_size__tile_overlayer_lowered;
	s4 =	simm.s32 $_tile_overlayer_lowered  }
0x98: {  	s20 =	simm.s32 $0x1BFF;
	s19 =	sshll.u32 s4, $0x1;
	s1 =	sadd.s32 s2, s17  }
0x99: {  	s5 =	simm.s32 $0x0;
	s18 =	sshll.u32 s3, $0x1;
	s3 =	sadd.s32 s19, s1  }
0x9a: {  	[timem:s5], [sflag:s20] =	dma.local [hbm:s3], s18  }
0x9b: {  	_ =	swait.ge [sflag:s20], s18  }
0x9c: {  	s2 =	ssub.s32 $0x0, s18;
	[sflag:s20] =	ssyncset.done $0x0  }
0x9d: {  	[sflag:s20] =	ssyncadd.s32 s2;
	_ =	sdelay $0x1  }
0x9e: {  	s21 =	simm.s32 $0x1B8B  }
0x9f: {  	_ =	swait.ge [sflag:s21], $0x1  }
0xa0: {  	[sflag:s21] =	ssyncset.done $0x0  }
0xa1: {  	s23 =	simm.s32 $0x1B8E;
	s22 =	sld [smem:$0x3FFE];
	[sflag:s21] =	ssyncadd.s32 $0xFFFFFFFF  }
0xa2: {  	s24 =	simm.s32 $execute0_lowered;
	[smem:$0x3FD2] =	sst s23  }
0xa3: {  	s3 =	sshll.u32 s24, $0x1;
	_ =	strace $0x80000046;
	[dreg:$0x1] =	wrdreg $0xFFFFFFFF  }
0xa4: {  	s25 =	simm.s32 $_size_execute0_lowered;
	s1 =	sadd.s32 s1, s3;
	[dreg:$0x0] =	wrdreg $0x0  }
0xa5: {  	s3 =	sshll.u32 s25, $0x1;
	[dreg:$0x2] =	wrdreg s1  }
0xa6: {  	[dreg:$0x3] =	wrdreg s3  }
0xa7: {  	[dreg:$0x4] =	wrdreg $0xC0  }
0xa8: {  	_ =	task [dreg:s5], $0x5FFFF  }
0xa9: {  	[dreg:$0x1] =	wrdreg $0xFFFFFFFF  }
0xaa: {  	[dreg:$0x0] =	wrdreg $0x60  }
0xab: {  	[dreg:$0x2] =	wrdreg s0  }
0xac: {  	[dreg:$0x3] =	wrdreg s22  }
0xad: {  	[dreg:$0x4] =	wrdreg $0x9  }
0xae: {  	_ =	task.clear_ibuf [dreg:s5], $0x5FFFF;
	_ =	strace $0x90000046  }
0xaf: {  	s26 =	simm.s32 $0x9;
	_ =	strace $0x80000048  }
0xb0: {  	_ =	swait.ge [sflag:s26], $0x1  }
0xb1: {  	[sflag:s26] =	ssyncadd.s32 $0xFFFFFFFF  }
0xb2: {  	_ =	strace $0x90000048  }
0xb3: {  	_ =	sfence  }
0xb4: {  	s28 =	sld [smem:$0x0];
	_ =	sdelay $0x1  }
0xb5: {  	s29 =	srdreg.scid  }
0xb6: {  	s30 =	sshll.u32 s29, $0xD;
	s31 =	sshrl.u32 s29, $0x2  }
0xb7: {  	s2 =	sand.u32 $0x4000, s30;
	s1 =	sand.u32 $0x1, s29;
	s0 =	sadd.s32 s31, s28  }
0xb8: {  	s1 =	sor.u32 s2, s1;
	s0 =	sshll.u32 s0, $0x11  }
0xb9: {  	s0 =	sor.u32 s0, s1  }
0xba: {  	s0 =	sadd.s32 $0x8F2B, s0  }
0xbb: {  	[sflag:s0] =	ssyncadd.remote.s32 $0x1  }
0xbc: {  	_ =	sfence.sel $0xFFFF  }
0xbd: {  	[dreg:$0x0] =	wrdreg $0xFFFFFFFF;
	(pc) =	sbr.abs _section_cstart, $3  }
0xbe: {  	[dreg:$0x1] =	wrdreg $0xFFFFFFFF  }
0xbf: {  	_ =	task.clear_ibuf [dreg:s5], $0x2FFFF;
	_ =	strace $0x9FFFFFFF  }
0xc0: {  	(tm) =	ssettm $0x7FFFFFFF  }
0xc1: {  	_ =	shalt  }
tec
execute0_lowered:
.L_overlay_start_1:
0x0: {  	(tag) =	ssettag $0x1  }
0x1: {  	s1 =	rddreg [dreg:$0x0]  }
0x2: {  	s7 =	rddreg [dreg:$0x1]  }
0x3: {  	s0 =	rddreg [dreg:$0x2]  }
0x4: {  	s3 =	stileid.u32;
	_ =	strace $0x80000047;
	s4 =	simm.s32 $0x3E  }
0x5: {  	p0 =	sne.s32 s3, $0x0;
	[sflag:s4] =	ssyncpa.u1 $0x0  }
0x6: {  	s30 =	smin.u32 s3, $0x9;
	s2 =	simm.s32 @!p0 $0x1C3E;
	s5 =	simm.s32 @!p0 $0x0  }
0x7: {  	[spmem:s5], [sflag:s2] =	dma.local @!p0 [hbm:s1], $0x1400  }
0x8: {  	s2 =	sadd.s32 s3, s30  }
0x9: {  	p1 =	slt.u32 s3, $0x9;
	s3 =	simm.s32 $0x320;
	s2 =	smul.u32 $0x190, s2  }
0xa: {  	s3 =	simm.s32 @!p1 $0x190  }
0xb: {  	s3 =	sadd.s32 s3, s2  }
0xc: {  	s3 =	smin.u32 s3, $0x2710  }
0xd: {  	s8 =	ssub.s32 s3, s2  }
0xe: {  	p1 =	sgt.s32 s8, $0x0  }
0xf: {  	s8 =	simm.s32 @!p1 $0x0  }
0x10: {  	s6 =	sand.u32 $0xFFF0, s8  }
0x11: {  	s5 =	simm.s32 @!p0 $0x3E;
	s6 =	sshrl.u32 s6, $0x4  }
0x12: {  	_ =	swait.ge @!p0 [sflag:s5], $0x1400;
	s31 =	smul.u32 $0xA3E, s6  }
0x13: {  	[sflag:s5] =	ssyncset.done @!p0 $0x0  }
0x14: {  	[sflag:s5] =	ssyncadd.s32 @!p0 $0xFFFFEC00;
	s9 =	sshrl.u32 s31, $0x10  }
0x15: {  	s11 =	simm.s32 $0x0;
	[bflag:$0x0] =	sbarrier.arrive $0xFFFF;
	s10 =	smul.u32 $0x190, s9  }
.Ltmp0:
0x16: {  	[sflag:s4] =	ssyncpa.u1 $0x1;
	s4 =	simm.s32 $0x1;
	(pc) =	sbr.rel .LBB2_1-.Ltmp0, $4  }
0x17: {  	s5 =	sadd.s32 $0x600, s7;
	s7 =	sadd.s32 $0xC00, s7;
	[sflag:s4] =	ssyncpa.u1 $0x0  }
0x18: {  	s6 =	simm.s32 $0x2;
	p1 =	sne.s32 s8, s10;
	s8 =	simm.s32 $0x1  }
0x19: {  	(ifvalue) =	ssetifvalue $0xA000;
	[sflag:s6] =	ssyncpa.u1 $0x0;
	s8 =	simm.s32 @!p1 $0x0  }
0x1a: {  	vm0 =	vmmov $0xffff;
	s10 =	smov.u32 s2;
	s8 =	sadd.s32 s9, s8;
	s9 =	simm.s32 $0x0  }
.LBB2_5:
0x1b: {  	p2 =	sne.s32 s11, s8  }
.Ltmp1:
0x1c: {  	_ = 	snop;
	(pc) =	sbr.rel @!p2 .LBB2_6-.Ltmp1, $4  }
0x1d: {  	_ = 	snop  }
0x1e: {  	s12 =	sadd.s32 $0x190, s10  }
0x1f: {  	s10 =	smov.u32 s2;
	s13 =	sadd.s32 $0x1, s11;
	p1 =	slt.s32 s12, s3  }
0x20: {  	s11 =	smov.u32 s13;
	s10 =	smov.u32 @p1 s12  }
.LBB2_1:
0x21: {  	p1 =	sge.u32 s11, s8  }
0x22: {  	s12 =	sxor.u32 @!p1 $0xFFFFFFFF, s11  }
0x23: {  	s12 =	sand.u32 @!p1 $0x1, s12  }
0x24: {  	s12 =	smul.u32 @!p1 $0x190, s12  }
0x25: {  	s13 =	sshrl.u32 @!p1 s10, $0x3  }
0x26: {  	s16 =	sand.u32 @!p1 $0x7, s10;
	s14 =	sadd.s32 @!p1 s5, s13;
	s15 =	sor.u32 @!p1 $0xA00, s12  }
0x27: {  	[tilespmem:s15], [sflag:$0x2] =	stream.linear.gather @!p1 [hbm4b:s14+s16], $0x190, $0x38;
	[tilespmem:$0x1040] =	vst v63  }
0x28: {  	s13 =	sadd.s32 @!p1 s7, s13;
	s12 =	sadd.s32 @!p1 $0xD20, s12  }
0x29: {  	[tilespmem:s12], [sflag:$0x2] =	stream.linear.gather @!p1 [hbm4b:s13+s16], $0x190, $0x38;
	[tilespmem:$0x1040] =	vst v63  }
0x2a: {  	p1 =	seq.s32 s11, $0x0  }
.Ltmp2:
0x2b: {  	_ = 	snop;
	(pc) =	sbr.rel @p1 .LBB2_5-.Ltmp2, $1  }
0x2c: {  	_ =	sdelay $0x3  }
0x2d: {  	s12 =	sand.u32 $0x1, s11  }
0x2e: {  	_ =	swait.ge [sflag:s6], $0x320;
	p1 =	seq.s32 s12, $0x1;
	s12 =	simm.s32 $0x190  }
0x2f: {  	[sflag:s6] =	ssyncset.done $0x0;
	s12 =	simm.s32 @!p1 $0x0  }
0x30: {  	[sflag:s6] =	ssyncadd.s32 $0xFFFFFCE0;
	s14 =	sor.u32 $0xA00, s12  }
0x31: {  	v0 =	vld.msk [tilespmem:s14+$0x0 ss:$0x1], $0xffff;
	_ =	sdelay $0x4  }
0x32: {  	v0 =	vmin.u32 v0, $0xA000;
	_ =	sdelay $0x3  }
0x33: {  	s13 =	simm.s32 $0x0;
	s12 =	sadd.s32 $0xD20, s12;
	s14 =	sadd.s32 $0x10, s14  }
0x34: {  	[spmem:s9] =	stream.indirect_vreg.scatter.add.s32 [tilespmem:s12], [sflag:$0x1], $0x1, v0, vm0, $0x4038;
	[tilespmem:$0x1040] =	vst v63  }
.LBB2_3:
0x35: {  	v0 =	vld.msk [tilespmem:s14+$0x0 ss:$0x1], $0xffff;
	s13 =	sadd.s32 $0x10, s13  }
0x36: {  	p1 =	slt.u32 s13, $0x180;
	_ =	sdelay $0x4  }
0x37: {  	v0 =	vmin.u32 v0, $0xA000  }
.Ltmp3:
0x38: {  	(pc) =	sbr.rel @p1 .LBB2_3-.Ltmp3, $3  }
0x39: {  	_ =	sdelay $0x1  }
0x3a: {  	s14 =	sadd.s32 $0x10, s14;
	s12 =	sadd.s32 $0x10, s12  }
0x3b: {  	[spmem:s9] =	stream.indirect_vreg.scatter.add.s32 [tilespmem:s12], [sflag:$0x1], $0x1, v0, vm0, $0x4038;
	[tilespmem:$0x1040] =	vst v63  }
.Ltmp4:
0x3c: {  	(pc) =	sbr.rel .LBB2_5-.Ltmp4, $4  }
0x3d: {  	_ = 	snop  }
0x3e: {  	_ =	swait.ge [sflag:s4], $0x190  }
0x3f: {  	[sflag:s4] =	ssyncset.done $0x0  }
0x40: {  	[sflag:s4] =	ssyncadd.s32 $0xFFFFFE70  }
.LBB2_6:
0x41: {  	_ =	sfence.sel $0x180000  }
0x42: {  	s2 =	simm.s32 $0x2;
	[bflag:$0x0] =	sbarrier.arrive $0xFFFF  }
0x43: {  	s30 =	simm.s32 $0x1;
	[sflag:s2] =	ssyncpa.u1 $0x1  }
0x44: {  	[sflag:s30] =	ssyncpa.u1 $0x1  }
0x45: {  	_ =	sfence.stream.spmem  }
0x46: {  	s31 =	simm.s32 $0x3D;
	[bflag:$0x0] =	sbarrier.arrive $0xFFFF  }
0x47: {  	s2 =	simm.s32 @p0 $0x3D;
	[sflag:s31] =	ssyncpa.u1 $0x0  }
0x48: {  	[sflag:s2] =	ssyncpa.u1 @p0 $0x1  }
0x49: {  	[bflag:$0x0] =	sbarrier.arrive @p0 $0xFFFF  }
0x4a: {  	_ =	strace @p0 $0x90000047  }
0x4b: {  	s3 =	simm.s32 @!p0 $0x1C3D;
	s2 =	simm.s32 @!p0 $0x0;
	[bflag:$0x2] =	sbarrier.arrive @p0 $0xFFFF  }
0x4c: {  	[hbm:s1], [sflag:s3] =	dma.local @!p0 [spmem:s2], $0x1400  }
0x4d: {  	s1 =	simm.s32 @!p0 $0x3D  }
0x4e: {  	_ =	swait.ge @!p0 [sflag:s1], $0x1400  }
0x4f: {  	[sflag:s1] =	ssyncset.done @!p0 $0x0  }
0x50: {  	[sflag:s1] =	ssyncadd.s32 @!p0 $0xFFFFEC00  }
0x51: {  	[sflag:s1] =	ssyncpa.u1 @!p0 $0x1  }
0x52: {  	[bflag:$0x0] =	sbarrier.arrive @!p0 $0xFFFF  }
0x53: {  	_ =	strace @!p0 $0x90000047  }
0x54: {  	s0 =	sadd.s32 @!p0 $0x100000, s0;
	[bflag:$0x2] =	sbarrier.arrive @!p0 $0xFFFF  }
0x55: {  	[sflag:s0] =	ssyncadd.tile.s32 @!p0 $0x1;
	_ =	shalt  }
.Lfunc_end2:
_tile_overlayer_lowered:
.L_overlay_start_2:
0x56: {  	(tag) =	ssettag $0x2  }
0x57: {  	s0 =	rddreg [dreg:$0x0];
	s2 =	stileid.u32  }
0x58: {  	s1 =	rddreg [dreg:$0x1];
	p0 =	sne.s32 s2, $0x0  }
0x59: {  	s3 =	rddreg [dreg:$0x2];
	[bflag:$0x3] =	sbarrier.arrive $0xFFFF;
	s2 =	simm.s32 @!p0 $0x1C01  }
0x5a: {  	[timem:s3], [sflag:s2] =	dma.local @!p0 [hbm:s0], s1  }
0x5b: {  	s0 =	simm.s32 @!p0 $0x1  }
0x5c: {  	_ =	swait.ge @!p0 [sflag:s0], s1  }
0x5d: {  	s1 =	ssub.s32 @!p0 $0x0, s1;
	[sflag:s0] =	ssyncset.done @!p0 $0x0  }
0x5e: {  	[sflag:s0] =	ssyncadd.s32 @!p0 s1  }
0x5f: {  	[bflag:$0x3] =	sbarrier.arrive $0xFFFF  }
0x60: {  	_ =	shalt  }

</sc_bundles>
